<compile_context>
chip_gen: v7x
topology: tpu7x:2x2x1
jax: 0.10.2.dev20260603
libtpu: 0.0.44.dev20260713+nightly
codegen_flags: <defaults>
</compile_context>

<pallas_src>
import functools

import jax
import jax.numpy as jnp
from jax import lax
from jax.experimental import pallas as pl
from jax.experimental.pallas import tpu as pltpu
from jax.experimental.pallas import tpu_sc as plsc

NUM_CLASSES = 21
ALPHA = 1.0
NEG_POS_RATIO = 3.0
NEGATIVES_FOR_HARD = 100.0

MBLK = 2048
NB = 1024
LANES = 16
NSUB = 16
WIN = 8192


def _tc_body(n_boxes, batches, yt_ref, conf_ref, loc_ref,
             conf_out_ref, score_out_ref, meta_ref, np_smem, acc_smem):
    g = pl.program_id(0)
    j = pl.program_id(1)
    is_first = jnp.logical_and(g == 0, j == 0)
    is_last = jnp.logical_and(g == pl.num_programs(0) - 1,
                              j == pl.num_programs(1) - 1)

    @pl.when(is_first)
    def _init():
        def zb(b, _):
            np_smem[b] = 0.0
            return 0
        lax.fori_loop(0, batches, zb, 0)
        acc_smem[0] = 0.0
        acc_smem[1] = 0.0
        meta_ref[...] = jnp.zeros((8, 128), jnp.float32)

    x = conf_ref[...]
    e = jnp.exp(x)
    s1 = jnp.sum(e, axis=0, keepdims=True)
    lse = jnp.log(s1)
    u = yt_ref[4:25]
    s2 = jnp.sum(u, axis=0, keepdims=True)
    s3 = jnp.sum(u * x, axis=0, keepdims=True)
    conf_loss = s2 * lse - s3
    mask = yt_ref[25:26]
    score = (1.0 - e[0:1] / s1) * (1.0 - mask)
    d = yt_ref[0:4] - loc_ref[...]
    ad = jnp.abs(d)
    ll = jnp.where(ad < 1.0, 0.5 * d * d, ad - 0.5)
    loc_loss = jnp.sum(ll, axis=0, keepdims=True)

    bkt = (score * jnp.float32(NB)).astype(jnp.int32)
    bkt = jnp.minimum(jnp.maximum(bkt, 0), NB - 1)
    lane16 = jax.lax.broadcasted_iota(jnp.int32, (1, 8, MBLK), 2) % 16
    addr = bkt + lane16 * NB

    def tiled(v):
        return jnp.transpose(v.reshape(8, MBLK // 128, 128), (1, 0, 2))[None]

    conf_out_ref[...] = tiled(conf_loss)
    score_out_ref[...] = tiled(addr)

    for b in range(8):
        np_smem[g * 8 + b] = np_smem[g * 8 + b] + jnp.sum(mask[0, b, :])
    acc_smem[0] = acc_smem[0] + jnp.sum(conf_loss * mask)
    acc_smem[1] = acc_smem[1] + jnp.sum(loc_loss * mask)

    @pl.when(is_last)
    def _fin():
        def body(bb, carry):
            nn_sum, has_min, denom = carry
            npb = np_smem[bb]
            nn = jnp.minimum(NEG_POS_RATIO * npb, n_boxes - npb)
            return (nn_sum + nn,
                    has_min + jnp.where(nn > 0.0, 1.0, 0.0),
                    denom + jnp.where(npb != 0.0, npb, 1.0))
        nn_sum, has_min, denom = lax.fori_loop(
            0, batches, body, (jnp.float32(0), jnp.float32(0), jnp.float32(0)))
        nnb = jnp.where(has_min > 0.0, nn_sum, jnp.float32(NEGATIVES_FOR_HARD))
        kneg = jnp.floor(nnb)
        pos_total = acc_smem[0] + ALPHA * acc_smem[1]
        meta_ref[...] = jnp.concatenate([
            jnp.full((1, 128), kneg, jnp.float32),
            jnp.full((1, 128), pos_total, jnp.float32),
            jnp.full((1, 128), denom, jnp.float32),
            jnp.zeros((5, 128), jnp.float32),
        ], axis=0)


def _tc_call(ytt, conft, loct, n_boxes, batches):
    body = functools.partial(_tc_body, n_boxes, batches)
    return pl.pallas_call(
        body,
        grid=(batches // 8, n_boxes // MBLK),
        in_specs=[
            pl.BlockSpec((26, 8, MBLK), lambda g, j: (0, g, j)),
            pl.BlockSpec((NUM_CLASSES, 8, MBLK), lambda g, j: (0, g, j)),
            pl.BlockSpec((4, 8, MBLK), lambda g, j: (0, g, j)),
        ],
        out_specs=[
            pl.BlockSpec((1, MBLK // 128, 8, 128), lambda g, j: (g, j, 0, 0)),
            pl.BlockSpec((1, MBLK // 128, 8, 128), lambda g, j: (g, j, 0, 0)),
            pl.BlockSpec((8, 128), lambda g, j: (0, 0)),
        ],
        out_shape=[
            jax.ShapeDtypeStruct((batches // 8, n_boxes // 128, 8, 128),
                                 jnp.float32),
            jax.ShapeDtypeStruct((batches // 8, n_boxes // 128, 8, 128),
                                 jnp.int32),
            jax.ShapeDtypeStruct((8, 128), jnp.float32),
        ],
        scratch_shapes=[
            pltpu.SMEM((batches,), jnp.float32),
            pltpu.SMEM((2,), jnp.float32),
        ],
    )(ytt, conft, loct)


def _sc_body(f_total, addr_hbm, conf_hbm, meta_hbm, out_hbm, stage_hbm,
             hcnt, hsum, sw, cw, red, tmp):
    s = lax.axis_index("s")
    zero16 = jnp.zeros((16,), jnp.float32)
    ones16 = jnp.ones((16,), jnp.float32)

    def zbody(i, _):
        hcnt[pl.ds(i * 16, 16)] = zero16
        hsum[pl.ds(i * 16, 16)] = zero16
        return 0
    lax.fori_loop(0, LANES * NB // 16, zbody, 0)

    per = f_total // NSUB
    base = s * per

    def wbody(w, _):
        off = base + w * WIN
        pltpu.sync_copy(addr_hbm.at[pl.ds(off, WIN)], sw)
        pltpu.sync_copy(conf_hbm.at[pl.ds(off, WIN)], cw)

        def ibody(j, _):
            a = sw[pl.ds(j * 16, 16)]
            cl = cw[pl.ds(j * 16, 16)]
            plsc.addupdate_scatter(hcnt, [a], ones16)
            plsc.addupdate_scatter(hsum, [a], cl)
            return 0
        lax.fori_loop(0, WIN // 16, ibody, 0)
        return 0
    lax.fori_loop(0, per // WIN, wbody, 0)

    def rbody(k, _):
        acc_c = zero16
        acc_s = zero16
        for l in range(LANES):
            acc_c = acc_c + hcnt[pl.ds(l * NB + k * 16, 16)]
            acc_s = acc_s + hsum[pl.ds(l * NB + k * 16, 16)]
        red[pl.ds(k * 16, 16)] = acc_c
        red[pl.ds(NB + k * 16, 16)] = acc_s
        return 0
    lax.fori_loop(0, NB // 16, rbody, 0)

    pltpu.sync_copy(red, stage_hbm.at[pl.ds(s * 2 * NB, 2 * NB)])
    plsc.subcore_barrier()

    @pl.when(s == 0)
    def _finalize():
        def z2(i, _):
            red[pl.ds(i * 16, 16)] = zero16
            return 0
        lax.fori_loop(0, 2 * NB // 16, z2, 0)

        def mbody(t, _):
            pltpu.sync_copy(stage_hbm.at[pl.ds(t * 2 * NB, 2 * NB)], tmp)

            def abody(k, _):
                red[pl.ds(k * 16, 16)] = red[pl.ds(k * 16, 16)] + tmp[pl.ds(k * 16, 16)]
                return 0
            lax.fori_loop(0, 2 * NB // 16, abody, 0)
            return 0
        lax.fori_loop(0, NSUB, mbody, 0)

        pltpu.sync_copy(meta_hbm, tmp.at[pl.ds(0, 1024)])
        k16 = tmp[pl.ds(0, 16)]
        pos16 = tmp[pl.ds(128, 16)]
        den16 = tmp[pl.ds(256, 16)]

        ftot = jnp.float32(f_total)

        def scbody(k, carry):
            cc, cs, ak, ats, asum, ac = carry
            c16 = red[pl.ds(k * 16, 16)]
            s16 = red[pl.ds(NB + k * 16, 16)]
            t = cc + plsc.cumsum(c16)
            ts = cs + plsc.cumsum(s16)
            above = ftot - t
            sel = jnp.logical_and(above < k16, above + c16 >= k16)
            ak = ak + jnp.where(sel, k16 - above, 0.0)
            ats = ats + jnp.where(sel, ts, 0.0)
            asum = asum + jnp.where(sel, s16, 0.0)
            ac = ac + jnp.where(sel, c16, 0.0)
            cc = cc + jnp.broadcast_to(jnp.sum(c16), (16,))
            cs = cs + jnp.broadcast_to(jnp.sum(s16), (16,))
            return cc, cs, ak, ats, asum, ac

        init = (zero16, zero16, zero16, zero16, zero16, zero16)
        cc, cs, ak, ats, asum, ac = lax.fori_loop(0, NB // 16, scbody, init)

        r = jnp.broadcast_to(jnp.sum(ak), (16,))
        tsb = jnp.broadcast_to(jnp.sum(ats), (16,))
        sb = jnp.broadcast_to(jnp.sum(asum), (16,))
        cb = jnp.broadcast_to(jnp.sum(ac), (16,))
        neg = jnp.where(r > 0.0,
                        (cs - tsb) + r * sb / jnp.maximum(cb, 1.0),
                        zero16)
        loss16 = (pos16 + neg) / den16
        tmp[pl.ds(0, 16)] = loss16
        pltpu.sync_copy(tmp.at[pl.ds(0, 16)], out_hbm)


def _sc_call(addr, conf, meta, f_total):
    mesh = plsc.VectorSubcoreMesh(
        core_axis_name="c", subcore_axis_name="s", num_cores=1)
    body = functools.partial(_sc_body, f_total)
    fn = pl.kernel(
        body,
        out_type=[
            jax.ShapeDtypeStruct((16,), jnp.float32),
            jax.ShapeDtypeStruct((NSUB * 2 * NB,), jnp.float32),
        ],
        mesh=mesh,
        scratch_types=[
            pltpu.VMEM((LANES * NB,), jnp.float32),
            pltpu.VMEM((LANES * NB,), jnp.float32),
            pltpu.VMEM((WIN,), jnp.int32),
            pltpu.VMEM((WIN,), jnp.float32),
            pltpu.VMEM((2 * NB,), jnp.float32),
            pltpu.VMEM((2 * NB,), jnp.float32),
        ],
        compiler_params=pltpu.CompilerParams(needs_layout_passes=False),
    )
    out16, _ = fn(addr, conf, meta)
    return out16


def kernel(y_true, y_pred_loc, y_pred_conf):
    batches, n_boxes, _ = y_true.shape
    f_total = batches * n_boxes
    ytt = jnp.transpose(y_true, (2, 0, 1))
    conft = jnp.transpose(y_pred_conf, (2, 0, 1))
    loct = jnp.transpose(y_pred_loc, (2, 0, 1))
    conf4, addr4, meta = _tc_call(ytt, conft, loct, n_boxes, batches)
    out16 = _sc_call(addr4.reshape(f_total), conf4.reshape(f_total),
                     meta.reshape(1024), f_total)
    return out16[0]

# --- scband reference (transcript-rebuilt; emitter-appended) ---
"""Pipeline reference for scband-multibox-loss-70995809403458 (READ-ONLY COPY).

The authoritative reference and input builder live on the scoring server;
editing this copy changes nothing except your own understanding.
"""

import jax, jax.numpy as jnp
import numpy as np

NUM_CLASSES = 21
ALPHA = 1.0
NEG_POS_RATIO = 3.0
BACKGROUND_LABEL_ID = 0
NEGATIVES_FOR_HARD = 100.0


def setup_inputs(seed: int = 0) -> dict:
    key = jax.random.key(seed)
    k1, k2, k3 = jax.random.split(key, 3)
    B, N, C = 32, 32768, NUM_CLASSES
    y_true = jax.random.uniform(k1, (B, N, 4 + C + 1), dtype=jnp.float32)
    y_pred_loc = jax.random.normal(k2, (B, N, 4), dtype=jnp.float32)
    y_pred_conf = jax.random.normal(k3, (B, N, C), dtype=jnp.float32)
    return {"y_true": y_true, "y_pred_loc": y_pred_loc, "y_pred_conf": y_pred_conf}


def _l1_smooth_loss(y_true, y_pred):
    abs_loss = jnp.abs(y_true - y_pred)
    sq_loss = 0.5 * (y_true - y_pred) ** 2
    l1_loss = jnp.where(abs_loss < 1.0, sq_loss, abs_loss - 0.5)
    return jnp.sum(l1_loss, axis=-1)


def _softmax_loss(y_true, y_pred):
    y_pred = jnp.maximum(y_pred, 1e-07)
    return -jnp.sum(y_true * jnp.log(y_pred), axis=-1)


def reference(y_true, y_pred_loc, y_pred_conf):
    num_boxes = y_true.shape[1]
    y_pred = jnp.concatenate([y_pred_loc, jax.nn.softmax(y_pred_conf, axis=-1)], axis=-1)
    conf_loss = _softmax_loss(y_true[:, :, 4:-1], y_pred[:, :, 4:])
    loc_loss = _l1_smooth_loss(y_true[:, :, :4], y_pred[:, :, :4])
    mask = y_true[:, :, -1]
    pos_loc_loss = jnp.sum(loc_loss * mask, axis=1)
    pos_conf_loss = jnp.sum(conf_loss * mask, axis=1)
    num_pos = jnp.sum(mask, axis=-1)
    num_neg = jnp.minimum(NEG_POS_RATIO * num_pos, num_boxes - num_pos)
    pos_num_neg_mask = num_neg > 0
    has_min = jnp.sum(pos_num_neg_mask)
    num_neg_batch = jnp.where(has_min > 0, jnp.sum(num_neg), jnp.float32(NEGATIVES_FOR_HARD))
    confs_start = 4 + BACKGROUND_LABEL_ID + 1
    confs_end = confs_start + NUM_CLASSES - 1
    max_confs = jnp.sum(y_pred[:, :, confs_start:confs_end], axis=2)
    max_confs = (max_confs * (1.0 - mask)).reshape(-1)
    total = max_confs.shape[0]
    _, indices = jax.lax.top_k(max_confs, total)
    neg_conf_all = jnp.take(conf_loss.reshape(-1), indices, axis=0)
    keep = jnp.arange(total, dtype=jnp.float32) < jnp.floor(num_neg_batch)
    neg_conf_sum = jnp.sum(jnp.where(keep, neg_conf_all, jnp.zeros_like(neg_conf_all)))
    num_pos_adj = jnp.where(num_pos != 0, num_pos, jnp.ones_like(num_pos))
    total_loss = jnp.sum(pos_conf_loss) + neg_conf_sum + jnp.sum(ALPHA * pos_loc_loss)
    total_loss = total_loss / jnp.sum(num_pos_adj)
    return total_loss

if __name__ == "__main__":
    import jax
    _d = setup_inputs()
    print(jax.jit(kernel)(*tuple(_d.values())))

</pallas_src>

<mosaic_0001>
#map = affine_map<(d0, d1) -> (0)>
module attributes {stable_mosaic.version = 14 : i64} {
  func.func @_sc_body(%arg0: i32, %arg1: i32, %arg2: memref<1048576xi32, #tpu.memory_space<hbm>>, %arg3: memref<1048576xf32, #tpu.memory_space<hbm>>, %arg4: memref<1024xf32, #tpu.memory_space<hbm>>, %arg5: memref<16xf32, #tpu.memory_space<hbm>>, %arg6: memref<32768xf32, #tpu.memory_space<hbm>>, %arg7: memref<16384xf32, #tpu.memory_space<vmem>>, %arg8: memref<16384xf32, #tpu.memory_space<vmem>>, %arg9: memref<8192xi32, #tpu.memory_space<vmem>>, %arg10: memref<8192xf32, #tpu.memory_space<vmem>>, %arg11: memref<2048xf32, #tpu.memory_space<vmem>>, %arg12: memref<2048xf32, #tpu.memory_space<vmem>>) attributes {dimension_semantics = [#tpu.dimension_semantics<core_parallel>, #tpu.dimension_semantics<subcore_parallel>], iteration_bounds = array<i64: 1, 16>, scalar_prefetch = 0 : i64, scratch_operands = 6 : i64, tpu.core_type = #tpu.core_type<sc_vector_subcore>, window_params = [{transform_indices = #map}, {transform_indices = #map}, {transform_indices = #map}, {transform_indices = #map}, {transform_indices = #map}]} {
    %broadcast_in_dim3A = arith.constant 0.000000e+00 : f32
    %broadcast_in_dim3A_0 = vector.broadcast %broadcast_in_dim3A : f32 to vector<16xf32>
    %broadcast_in_dim3A_1 = arith.constant 1.000000e+00 : f32
    %broadcast_in_dim3A_2 = vector.broadcast %broadcast_in_dim3A_1 : f32 to vector<16xf32>
    %scan3A = arith.constant 0 : i32
    %scan3A_3 = arith.constant 0 : i32
    %scan3A_4 = arith.constant 1024 : i32
    %scan3A_5 = arith.addi %scan3A_3, %scan3A_4 : i32
    %scan3A_6 = arith.constant 1 : i32
    %scan3A_7 = scf.for %scan3A_30 = %scan3A_3 to %scan3A_5 step %scan3A_6 iter_args(%scan3A_31 = %scan3A) -> (i32)  : i32 {
      %mul3A_32 = arith.constant 16 : i32
      %mul3A_33 = arith.muli %scan3A_30, %mul3A_32 : i32
      %swap3A = arith.index_cast %mul3A_33 : i32 to index
      %swap3A_34 = tpu.vector_load %arg7[%swap3A] {strides = array<i32>} : memref<16384xf32, #tpu.memory_space<vmem>>, vector<16xf32>,
      tpu.vector_store %arg7[%swap3A], %broadcast_in_dim3A_0 {strides = array<i32>} : memref<16384xf32, #tpu.memory_space<vmem>>, vector<16xf32>,
      %mul3A_35 = arith.constant 16 : i32
      %mul3A_36 = arith.muli %scan3A_30, %mul3A_35 : i32
      %swap3A_37 = arith.index_cast %mul3A_36 : i32 to index
      %swap3A_38 = tpu.vector_load %arg8[%swap3A_37] {strides = array<i32>} : memref<16384xf32, #tpu.memory_space<vmem>>, vector<16xf32>,
      tpu.vector_store %arg8[%swap3A_37], %broadcast_in_dim3A_0 {strides = array<i32>} : memref<16384xf32, #tpu.memory_space<vmem>>, vector<16xf32>,
      %scan3A_39 = arith.constant 0 : i32
      scf.yield %scan3A_39 : i32
    }
    %scan3A_8 = arith.constant 1024 : i32
    %mul3A = arith.constant 65536 : i32
    %mul3A_9 = arith.muli %arg1, %mul3A : i32
    %scan3A_10 = arith.constant 0 : i32
    %scan3A_11 = arith.constant 0 : i32
    %scan3A_12 = arith.constant 8 : i32
    %scan3A_13 = arith.addi %scan3A_11, %scan3A_12 : i32
    %scan3A_14 = arith.constant 1 : i32
    %scan3A_15 = scf.for %scan3A_30 = %scan3A_11 to %scan3A_13 step %scan3A_14 iter_args(%scan3A_31 = %scan3A_10) -> (i32)  : i32 {
      %mul3A_32 = arith.constant 8192 : i32
      %mul3A_33 = arith.muli %scan3A_30, %mul3A_32 : i32
      %add3A = arith.addi %mul3A_9, %mul3A_33 : i32
      "tpu.region"() ({
        %run_scoped3A = tpu.sem_alloc : memref<!tpu.dma_semaphore, #tpu.memory_space<semaphore_mem>>
        %dma_start3A = tpu.memref_slice %arg2[%add3A] : memref<1048576xi32, #tpu.memory_space<hbm>> -> memref<8192xi32, #tpu.memory_space<hbm>>
        %dma_start3A_42 = tpu.memref_slice %arg2[%add3A] : memref<1048576xi32, #tpu.memory_space<hbm>> -> memref<8192xi32, #tpu.memory_space<hbm>>
        tpu.enqueue_dma source(%dma_start3A_42 : memref<8192xi32, #tpu.memory_space<hbm>>) target(%arg9 : memref<8192xi32, #tpu.memory_space<vmem>>) target_semaphore(%run_scoped3A : memref<!tpu.dma_semaphore, #tpu.memory_space<semaphore_mem>>)
        %dma_wait3A = tpu.memref_slice %arg2[%add3A] : memref<1048576xi32, #tpu.memory_space<hbm>> -> memref<8192xi32, #tpu.memory_space<hbm>>
        %dma_wait3A_43 = tpu.memref_slice %arg2[%add3A] : memref<1048576xi32, #tpu.memory_space<hbm>> -> memref<8192xi32, #tpu.memory_space<hbm>>
        tpu.wait_dma2 semaphore(%run_scoped3A : memref<!tpu.dma_semaphore, #tpu.memory_space<semaphore_mem>>) src(%dma_wait3A_43 : memref<8192xi32, #tpu.memory_space<hbm>>) dst(%arg9 : memref<8192xi32, #tpu.memory_space<vmem>>)
        tpu.yield
      }) : () -> ()
      "tpu.region"() ({
        %run_scoped3A = tpu.sem_alloc : memref<!tpu.dma_semaphore, #tpu.memory_space<semaphore_mem>>
        %dma_start3A = tpu.memref_slice %arg3[%add3A] : memref<1048576xf32, #tpu.memory_space<hbm>> -> memref<8192xf32, #tpu.memory_space<hbm>>
        %dma_start3A_42 = tpu.memref_slice %arg3[%add3A] : memref<1048576xf32, #tpu.memory_space<hbm>> -> memref<8192xf32, #tpu.memory_space<hbm>>
        tpu.enqueue_dma source(%dma_start3A_42 : memref<8192xf32, #tpu.memory_space<hbm>>) target(%arg10 : memref<8192xf32, #tpu.memory_space<vmem>>) target_semaphore(%run_scoped3A : memref<!tpu.dma_semaphore, #tpu.memory_space<semaphore_mem>>)
        %dma_wait3A = tpu.memref_slice %arg3[%add3A] : memref<1048576xf32, #tpu.memory_space<hbm>> -> memref<8192xf32, #tpu.memory_space<hbm>>
        %dma_wait3A_43 = tpu.memref_slice %arg3[%add3A] : memref<1048576xf32, #tpu.memory_space<hbm>> -> memref<8192xf32, #tpu.memory_space<hbm>>
        tpu.wait_dma2 semaphore(%run_scoped3A : memref<!tpu.dma_semaphore, #tpu.memory_space<semaphore_mem>>) src(%dma_wait3A_43 : memref<8192xf32, #tpu.memory_space<hbm>>) dst(%arg10 : memref<8192xf32, #tpu.memory_space<vmem>>)
        tpu.yield
      }) : () -> ()
      %scan3A_34 = arith.constant 0 : i32
      %scan3A_35 = arith.constant 0 : i32
      %scan3A_36 = arith.constant 512 : i32
      %scan3A_37 = arith.addi %scan3A_35, %scan3A_36 : i32
      %scan3A_38 = arith.constant 1 : i32
      %scan3A_39 = scf.for %scan3A_42 = %scan3A_35 to %scan3A_37 step %scan3A_38 iter_args(%scan3A_43 = %scan3A_34) -> (i32)  : i32 {
        %mul3A_44 = arith.constant 16 : i32
        %mul3A_45 = arith.muli %scan3A_42, %mul3A_44 : i32
        %get3A = arith.index_cast %mul3A_45 : i32 to index
        %get3A_46 = tpu.vector_load %arg9[%get3A] {strides = array<i32>} : memref<8192xi32, #tpu.memory_space<vmem>>, vector<16xi32>,
        %mul3A_47 = arith.constant 16 : i32
        %mul3A_48 = arith.muli %scan3A_42, %mul3A_47 : i32
        %get3A_49 = arith.index_cast %mul3A_48 : i32 to index
        %get3A_50 = tpu.vector_load %arg10[%get3A_49] {strides = array<i32>} : memref<8192xf32, #tpu.memory_space<vmem>>, vector<16xf32>,
        tpu.vector_store_idx %arg7[%get3A_46], %broadcast_in_dim3A_2 {add = true} : memref<16384xf32, #tpu.memory_space<vmem>>[vector<16xi32>], vector<16xf32>,
        tpu.vector_store_idx %arg8[%get3A_46], %get3A_50 {add = true} : memref<16384xf32, #tpu.memory_space<vmem>>[vector<16xi32>], vector<16xf32>,
        %scan3A_51 = arith.constant 0 : i32
        scf.yield %scan3A_51 : i32
      }
      %scan3A_40 = arith.constant 512 : i32
      %scan3A_41 = arith.constant 0 : i32
      scf.yield %scan3A_41 : i32
    }
    %scan3A_16 = arith.constant 8 : i32
    %scan3A_17 = arith.constant 0 : i32
    %scan3A_18 = arith.constant 0 : i32
    %scan3A_19 = arith.constant 64 : i32
    %scan3A_20 = arith.addi %scan3A_18, %scan3A_19 : i32
    %scan3A_21 = arith.constant 1 : i32
    %scan3A_22 = scf.for %scan3A_30 = %scan3A_18 to %scan3A_20 step %scan3A_21 iter_args(%scan3A_31 = %scan3A_17) -> (i32)  : i32 {
      %mul3A_32 = arith.constant 16 : i32
      %mul3A_33 = arith.muli %scan3A_30, %mul3A_32 : i32
      %add3A = arith.constant 0 : i32
      %add3A_34 = arith.addi %add3A, %mul3A_33 : i32
      %get3A = arith.index_cast %add3A_34 : i32 to index
      %get3A_35 = tpu.vector_load %arg7[%get3A] {strides = array<i32>} : memref<16384xf32, #tpu.memory_space<vmem>>, vector<16xf32>,
      %add3A_36 = arith.addf %broadcast_in_dim3A_0, %get3A_35 : vector<16xf32>
      %mul3A_37 = arith.constant 16 : i32
      %mul3A_38 = arith.muli %scan3A_30, %mul3A_37 : i32
      %add3A_39 = arith.constant 0 : i32
      %add3A_40 = arith.addi %add3A_39, %mul3A_38 : i32
      %get3A_41 = arith.index_cast %add3A_40 : i32 to index
      %get3A_42 = tpu.vector_load %arg8[%get3A_41] {strides = array<i32>} : memref<16384xf32, #tpu.memory_space<vmem>>, vector<16xf32>,
      %add3A_43 = arith.addf %broadcast_in_dim3A_0, %get3A_42 : vector<16xf32>
      %mul3A_44 = arith.constant 16 : i32
      %mul3A_45 = arith.muli %scan3A_30, %mul3A_44 : i32
      %add3A_46 = arith.constant 1024 : i32
      %add3A_47 = arith.addi %add3A_46, %mul3A_45 : i32
      %get3A_48 = arith.index_cast %add3A_47 : i32 to index
      %get3A_49 = tpu.vector_load %arg7[%get3A_48] {strides = array<i32>} : memref<16384xf32, #tpu.memory_space<vmem>>, vector<16xf32>,
      %add3A_50 = arith.addf %add3A_36, %get3A_49 : vector<16xf32>
      %mul3A_51 = arith.constant 16 : i32
      %mul3A_52 = arith.muli %scan3A_30, %mul3A_51 : i32
      %add3A_53 = arith.constant 1024 : i32
      %add3A_54 = arith.addi %add3A_53, %mul3A_52 : i32
      %get3A_55 = arith.index_cast %add3A_54 : i32 to index
      %get3A_56 = tpu.vector_load %arg8[%get3A_55] {strides = array<i32>} : memref<16384xf32, #tpu.memory_space<vmem>>, vector<16xf32>,
      %add3A_57 = arith.addf %add3A_43, %get3A_56 : vector<16xf32>
      %mul3A_58 = arith.constant 16 : i32
      %mul3A_59 = arith.muli %scan3A_30, %mul3A_58 : i32
      %add3A_60 = arith.constant 2048 : i32
      %add3A_61 = arith.addi %add3A_60, %mul3A_59 : i32
      %get3A_62 = arith.index_cast %add3A_61 : i32 to index
      %get3A_63 = tpu.vector_load %arg7[%get3A_62] {strides = array<i32>} : memref<16384xf32, #tpu.memory_space<vmem>>, vector<16xf32>,
      %add3A_64 = arith.addf %add3A_50, %get3A_63 : vector<16xf32>
      %mul3A_65 = arith.constant 16 : i32
      %mul3A_66 = arith.muli %scan3A_30, %mul3A_65 : i32
      %add3A_67 = arith.constant 2048 : i32
      %add3A_68 = arith.addi %add3A_67, %mul3A_66 : i32
      %get3A_69 = arith.index_cast %add3A_68 : i32 to index
      %get3A_70 = tpu.vector_load %arg8[%get3A_69] {strides = array<i32>} : memref<16384xf32, #tpu.memory_space<vmem>>, vector<16xf32>,
      %add3A_71 = arith.addf %add3A_57, %get3A_70 : vector<16xf32>
      %mul3A_72 = arith.constant 16 : i32
      %mul3A_73 = arith.muli %scan3A_30, %mul3A_72 : i32
      %add3A_74 = arith.constant 3072 : i32
      %add3A_75 = arith.addi %add3A_74, %mul3A_73 : i32
      %get3A_76 = arith.index_cast %add3A_75 : i32 to index
      %get3A_77 = tpu.vector_load %arg7[%get3A_76] {strides = array<i32>} : memref<16384xf32, #tpu.memory_space<vmem>>, vector<16xf32>,
      %add3A_78 = arith.addf %add3A_64, %get3A_77 : vector<16xf32>
      %mul3A_79 = arith.constant 16 : i32
      %mul3A_80 = arith.muli %scan3A_30, %mul3A_79 : i32
      %add3A_81 = arith.constant 3072 : i32
      %add3A_82 = arith.addi %add3A_81, %mul3A_80 : i32
      %get3A_83 = arith.index_cast %add3A_82 : i32 to index
      %get3A_84 = tpu.vector_load %arg8[%get3A_83] {strides = array<i32>} : memref<16384xf32, #tpu.memory_space<vmem>>, vector<16xf32>,
      %add3A_85 = arith.addf %add3A_71, %get3A_84 : vector<16xf32>
      %mul3A_86 = arith.constant 16 : i32
      %mul3A_87 = arith.muli %scan3A_30, %mul3A_86 : i32
      %add3A_88 = arith.constant 4096 : i32
      %add3A_89 = arith.addi %add3A_88, %mul3A_87 : i32
      %get3A_90 = arith.index_cast %add3A_89 : i32 to index
      %get3A_91 = tpu.vector_load %arg7[%get3A_90] {strides = array<i32>} : memref<16384xf32, #tpu.memory_space<vmem>>, vector<16xf32>,
      %add3A_92 = arith.addf %add3A_78, %get3A_91 : vector<16xf32>
      %mul3A_93 = arith.constant 16 : i32
      %mul3A_94 = arith.muli %scan3A_30, %mul3A_93 : i32
      %add3A_95 = arith.constant 4096 : i32
      %add3A_96 = arith.addi %add3A_95, %mul3A_94 : i32
      %get3A_97 = arith.index_cast %add3A_96 : i32 to index
      %get3A_98 = tpu.vector_load %arg8[%get3A_97] {strides = array<i32>} : memref<16384xf32, #tpu.memory_space<vmem>>, vector<16xf32>,
      %add3A_99 = arith.addf %add3A_85, %get3A_98 : vector<16xf32>
      %mul3A_100 = arith.constant 16 : i32
      %mul3A_101 = arith.muli %scan3A_30, %mul3A_100 : i32
      %add3A_102 = arith.constant 5120 : i32
      %add3A_103 = arith.addi %add3A_102, %mul3A_101 : i32
      %get3A_104 = arith.index_cast %add3A_103 : i32 to index
      %get3A_105 = tpu.vector_load %arg7[%get3A_104] {strides = array<i32>} : memref<16384xf32, #tpu.memory_space<vmem>>, vector<16xf32>,
      %add3A_106 = arith.addf %add3A_92, %get3A_105 : vector<16xf32>
      %mul3A_107 = arith.constant 16 : i32
      %mul3A_108 = arith.muli %scan3A_30, %mul3A_107 : i32
      %add3A_109 = arith.constant 5120 : i32
      %add3A_110 = arith.addi %add3A_109, %mul3A_108 : i32
      %get3A_111 = arith.index_cast %add3A_110 : i32 to index
      %get3A_112 = tpu.vector_load %arg8[%get3A_111] {strides = array<i32>} : memref<16384xf32, #tpu.memory_space<vmem>>, vector<16xf32>,
      %add3A_113 = arith.addf %add3A_99, %get3A_112 : vector<16xf32>
      %mul3A_114 = arith.constant 16 : i32
      %mul3A_115 = arith.muli %scan3A_30, %mul3A_114 : i32
      %add3A_116 = arith.constant 6144 : i32
      %add3A_117 = arith.addi %add3A_116, %mul3A_115 : i32
      %get3A_118 = arith.index_cast %add3A_117 : i32 to index
      %get3A_119 = tpu.vector_load %arg7[%get3A_118] {strides = array<i32>} : memref<16384xf32, #tpu.memory_space<vmem>>, vector<16xf32>,
      %add3A_120 = arith.addf %add3A_106, %get3A_119 : vector<16xf32>
      %mul3A_121 = arith.constant 16 : i32
      %mul3A_122 = arith.muli %scan3A_30, %mul3A_121 : i32
      %add3A_123 = arith.constant 6144 : i32
      %add3A_124 = arith.addi %add3A_123, %mul3A_122 : i32
      %get3A_125 = arith.index_cast %add3A_124 : i32 to index
      %get3A_126 = tpu.vector_load %arg8[%get3A_125] {strides = array<i32>} : memref<16384xf32, #tpu.memory_space<vmem>>, vector<16xf32>,
      %add3A_127 = arith.addf %add3A_113, %get3A_126 : vector<16xf32>
      %mul3A_128 = arith.constant 16 : i32
      %mul3A_129 = arith.muli %scan3A_30, %mul3A_128 : i32
      %add3A_130 = arith.constant 7168 : i32
      %add3A_131 = arith.addi %add3A_130, %mul3A_129 : i32
      %get3A_132 = arith.index_cast %add3A_131 : i32 to index
      %get3A_133 = tpu.vector_load %arg7[%get3A_132] {strides = array<i32>} : memref<16384xf32, #tpu.memory_space<vmem>>, vector<16xf32>,
      %add3A_134 = arith.addf %add3A_120, %get3A_133 : vector<16xf32>
      %mul3A_135 = arith.constant 16 : i32
      %mul3A_136 = arith.muli %scan3A_30, %mul3A_135 : i32
      %add3A_137 = arith.constant 7168 : i32
      %add3A_138 = arith.addi %add3A_137, %mul3A_136 : i32
      %get3A_139 = arith.index_cast %add3A_138 : i32 to index
      %get3A_140 = tpu.vector_load %arg8[%get3A_139] {strides = array<i32>} : memref<16384xf32, #tpu.memory_space<vmem>>, vector<16xf32>,
      %add3A_141 = arith.addf %add3A_127, %get3A_140 : vector<16xf32>
      %mul3A_142 = arith.constant 16 : i32
      %mul3A_143 = arith.muli %scan3A_30, %mul3A_142 : i32
      %add3A_144 = arith.constant 8192 : i32
      %add3A_145 = arith.addi %add3A_144, %mul3A_143 : i32
      %get3A_146 = arith.index_cast %add3A_145 : i32 to index
      %get3A_147 = tpu.vector_load %arg7[%get3A_146] {strides = array<i32>} : memref<16384xf32, #tpu.memory_space<vmem>>, vector<16xf32>,
      %add3A_148 = arith.addf %add3A_134, %get3A_147 : vector<16xf32>
      %mul3A_149 = arith.constant 16 : i32
      %mul3A_150 = arith.muli %scan3A_30, %mul3A_149 : i32
      %add3A_151 = arith.constant 8192 : i32
      %add3A_152 = arith.addi %add3A_151, %mul3A_150 : i32
      %get3A_153 = arith.index_cast %add3A_152 : i32 to index
      %get3A_154 = tpu.vector_load %arg8[%get3A_153] {strides = array<i32>} : memref<16384xf32, #tpu.memory_space<vmem>>, vector<16xf32>,
      %add3A_155 = arith.addf %add3A_141, %get3A_154 : vector<16xf32>
      %mul3A_156 = arith.constant 16 : i32
      %mul3A_157 = arith.muli %scan3A_30, %mul3A_156 : i32
      %add3A_158 = arith.constant 9216 : i32
      %add3A_159 = arith.addi %add3A_158, %mul3A_157 : i32
      %get3A_160 = arith.index_cast %add3A_159 : i32 to index
      %get3A_161 = tpu.vector_load %arg7[%get3A_160] {strides = array<i32>} : memref<16384xf32, #tpu.memory_space<vmem>>, vector<16xf32>,
      %add3A_162 = arith.addf %add3A_148, %get3A_161 : vector<16xf32>
      %mul3A_163 = arith.constant 16 : i32
      %mul3A_164 = arith.muli %scan3A_30, %mul3A_163 : i32
      %add3A_165 = arith.constant 9216 : i32
      %add3A_166 = arith.addi %add3A_165, %mul3A_164 : i32
      %get3A_167 = arith.index_cast %add3A_166 : i32 to index
      %get3A_168 = tpu.vector_load %arg8[%get3A_167] {strides = array<i32>} : memref<16384xf32, #tpu.memory_space<vmem>>, vector<16xf32>,
      %add3A_169 = arith.addf %add3A_155, %get3A_168 : vector<16xf32>
      %mul3A_170 = arith.constant 16 : i32
      %mul3A_171 = arith.muli %scan3A_30, %mul3A_170 : i32
      %add3A_172 = arith.constant 10240 : i32
      %add3A_173 = arith.addi %add3A_172, %mul3A_171 : i32
      %get3A_174 = arith.index_cast %add3A_173 : i32 to index
      %get3A_175 = tpu.vector_load %arg7[%get3A_174] {strides = array<i32>} : memref<16384xf32, #tpu.memory_space<vmem>>, vector<16xf32>,
      %add3A_176 = arith.addf %add3A_162, %get3A_175 : vector<16xf32>
      %mul3A_177 = arith.constant 16 : i32
      %mul3A_178 = arith.muli %scan3A_30, %mul3A_177 : i32
      %add3A_179 = arith.constant 10240 : i32
      %add3A_180 = arith.addi %add3A_179, %mul3A_178 : i32
      %get3A_181 = arith.index_cast %add3A_180 : i32 to index
      %get3A_182 = tpu.vector_load %arg8[%get3A_181] {strides = array<i32>} : memref<16384xf32, #tpu.memory_space<vmem>>, vector<16xf32>,
      %add3A_183 = arith.addf %add3A_169, %get3A_182 : vector<16xf32>
      %mul3A_184 = arith.constant 16 : i32
      %mul3A_185 = arith.muli %scan3A_30, %mul3A_184 : i32
      %add3A_186 = arith.constant 11264 : i32
      %add3A_187 = arith.addi %add3A_186, %mul3A_185 : i32
      %get3A_188 = arith.index_cast %add3A_187 : i32 to index
      %get3A_189 = tpu.vector_load %arg7[%get3A_188] {strides = array<i32>} : memref<16384xf32, #tpu.memory_space<vmem>>, vector<16xf32>,
      %add3A_190 = arith.addf %add3A_176, %get3A_189 : vector<16xf32>
      %mul3A_191 = arith.constant 16 : i32
      %mul3A_192 = arith.muli %scan3A_30, %mul3A_191 : i32
      %add3A_193 = arith.constant 11264 : i32
      %add3A_194 = arith.addi %add3A_193, %mul3A_192 : i32
      %get3A_195 = arith.index_cast %add3A_194 : i32 to index
      %get3A_196 = tpu.vector_load %arg8[%get3A_195] {strides = array<i32>} : memref<16384xf32, #tpu.memory_space<vmem>>, vector<16xf32>,
      %add3A_197 = arith.addf %add3A_183, %get3A_196 : vector<16xf32>
      %mul3A_198 = arith.constant 16 : i32
      %mul3A_199 = arith.muli %scan3A_30, %mul3A_198 : i32
      %add3A_200 = arith.constant 12288 : i32
      %add3A_201 = arith.addi %add3A_200, %mul3A_199 : i32
      %get3A_202 = arith.index_cast %add3A_201 : i32 to index
      %get3A_203 = tpu.vector_load %arg7[%get3A_202] {strides = array<i32>} : memref<16384xf32, #tpu.memory_space<vmem>>, vector<16xf32>,
      %add3A_204 = arith.addf %add3A_190, %get3A_203 : vector<16xf32>
      %mul3A_205 = arith.constant 16 : i32
      %mul3A_206 = arith.muli %scan3A_30, %mul3A_205 : i32
      %add3A_207 = arith.constant 12288 : i32
      %add3A_208 = arith.addi %add3A_207, %mul3A_206 : i32
      %get3A_209 = arith.index_cast %add3A_208 : i32 to index
      %get3A_210 = tpu.vector_load %arg8[%get3A_209] {strides = array<i32>} : memref<16384xf32, #tpu.memory_space<vmem>>, vector<16xf32>,
      %add3A_211 = arith.addf %add3A_197, %get3A_210 : vector<16xf32>
      %mul3A_212 = arith.constant 16 : i32
      %mul3A_213 = arith.muli %scan3A_30, %mul3A_212 : i32
      %add3A_214 = arith.constant 13312 : i32
      %add3A_215 = arith.addi %add3A_214, %mul3A_213 : i32
      %get3A_216 = arith.index_cast %add3A_215 : i32 to index
      %get3A_217 = tpu.vector_load %arg7[%get3A_216] {strides = array<i32>} : memref<16384xf32, #tpu.memory_space<vmem>>, vector<16xf32>,
      %add3A_218 = arith.addf %add3A_204, %get3A_217 : vector<16xf32>
      %mul3A_219 = arith.constant 16 : i32
      %mul3A_220 = arith.muli %scan3A_30, %mul3A_219 : i32
      %add3A_221 = arith.constant 13312 : i32
      %add3A_222 = arith.addi %add3A_221, %mul3A_220 : i32
      %get3A_223 = arith.index_cast %add3A_222 : i32 to index
      %get3A_224 = tpu.vector_load %arg8[%get3A_223] {strides = array<i32>} : memref<16384xf32, #tpu.memory_space<vmem>>, vector<16xf32>,
      %add3A_225 = arith.addf %add3A_211, %get3A_224 : vector<16xf32>
      %mul3A_226 = arith.constant 16 : i32
      %mul3A_227 = arith.muli %scan3A_30, %mul3A_226 : i32
      %add3A_228 = arith.constant 14336 : i32
      %add3A_229 = arith.addi %add3A_228, %mul3A_227 : i32
      %get3A_230 = arith.index_cast %add3A_229 : i32 to index
      %get3A_231 = tpu.vector_load %arg7[%get3A_230] {strides = array<i32>} : memref<16384xf32, #tpu.memory_space<vmem>>, vector<16xf32>,
      %add3A_232 = arith.addf %add3A_218, %get3A_231 : vector<16xf32>
      %mul3A_233 = arith.constant 16 : i32
      %mul3A_234 = arith.muli %scan3A_30, %mul3A_233 : i32
      %add3A_235 = arith.constant 14336 : i32
      %add3A_236 = arith.addi %add3A_235, %mul3A_234 : i32
      %get3A_237 = arith.index_cast %add3A_236 : i32 to index
      %get3A_238 = tpu.vector_load %arg8[%get3A_237] {strides = array<i32>} : memref<16384xf32, #tpu.memory_space<vmem>>, vector<16xf32>,
      %add3A_239 = arith.addf %add3A_225, %get3A_238 : vector<16xf32>
      %mul3A_240 = arith.constant 16 : i32
      %mul3A_241 = arith.muli %scan3A_30, %mul3A_240 : i32
      %add3A_242 = arith.constant 15360 : i32
      %add3A_243 = arith.addi %add3A_242, %mul3A_241 : i32
      %get3A_244 = arith.index_cast %add3A_243 : i32 to index
      %get3A_245 = tpu.vector_load %arg7[%get3A_244] {strides = array<i32>} : memref<16384xf32, #tpu.memory_space<vmem>>, vector<16xf32>,
      %add3A_246 = arith.addf %add3A_232, %get3A_245 : vector<16xf32>
      %mul3A_247 = arith.constant 16 : i32
      %mul3A_248 = arith.muli %scan3A_30, %mul3A_247 : i32
      %add3A_249 = arith.constant 15360 : i32
      %add3A_250 = arith.addi %add3A_249, %mul3A_248 : i32
      %get3A_251 = arith.index_cast %add3A_250 : i32 to index
      %get3A_252 = tpu.vector_load %arg8[%get3A_251] {strides = array<i32>} : memref<16384xf32, #tpu.memory_space<vmem>>, vector<16xf32>,
      %add3A_253 = arith.addf %add3A_239, %get3A_252 : vector<16xf32>
      %mul3A_254 = arith.constant 16 : i32
      %mul3A_255 = arith.muli %scan3A_30, %mul3A_254 : i32
      %swap3A = arith.index_cast %mul3A_255 : i32 to index
      %swap3A_256 = tpu.vector_load %arg11[%swap3A] {strides = array<i32>} : memref<2048xf32, #tpu.memory_space<vmem>>, vector<16xf32>,
      tpu.vector_store %arg11[%swap3A], %add3A_246 {strides = array<i32>} : memref<2048xf32, #tpu.memory_space<vmem>>, vector<16xf32>,
      %mul3A_257 = arith.constant 16 : i32
      %mul3A_258 = arith.muli %scan3A_30, %mul3A_257 : i32
      %add3A_259 = arith.constant 1024 : i32
      %add3A_260 = arith.addi %add3A_259, %mul3A_258 : i32
      %swap3A_261 = arith.index_cast %add3A_260 : i32 to index
      %swap3A_262 = tpu.vector_load %arg11[%swap3A_261] {strides = array<i32>} : memref<2048xf32, #tpu.memory_space<vmem>>, vector<16xf32>,
      tpu.vector_store %arg11[%swap3A_261], %add3A_253 {strides = array<i32>} : memref<2048xf32, #tpu.memory_space<vmem>>, vector<16xf32>,
      %scan3A_263 = arith.constant 0 : i32
      scf.yield %scan3A_263 : i32
    }
    %scan3A_23 = arith.constant 64 : i32
    %mul3A_24 = arith.constant 2 : i32
    %mul3A_25 = arith.muli %arg1, %mul3A_24 : i32
    %mul3A_26 = arith.constant 1024 : i32
    %mul3A_27 = arith.muli %mul3A_25, %mul3A_26 : i32
    "tpu.region"() ({
      %run_scoped3A = tpu.sem_alloc : memref<!tpu.dma_semaphore, #tpu.memory_space<semaphore_mem>>
      %dma_start3A = tpu.memref_slice %arg6[%mul3A_27] : memref<32768xf32, #tpu.memory_space<hbm>> -> memref<2048xf32, #tpu.memory_space<hbm>>
      %dma_start3A_30 = tpu.memref_slice %arg6[%mul3A_27] : memref<32768xf32, #tpu.memory_space<hbm>> -> memref<2048xf32, #tpu.memory_space<hbm>>
      tpu.enqueue_dma source(%arg11 : memref<2048xf32, #tpu.memory_space<vmem>>) target(%dma_start3A_30 : memref<2048xf32, #tpu.memory_space<hbm>>) target_semaphore(%run_scoped3A : memref<!tpu.dma_semaphore, #tpu.memory_space<semaphore_mem>>)
      %dma_wait3A = tpu.memref_slice %arg6[%mul3A_27] : memref<32768xf32, #tpu.memory_space<hbm>> -> memref<2048xf32, #tpu.memory_space<hbm>>
      %dma_wait3A_31 = tpu.memref_slice %arg6[%mul3A_27] : memref<32768xf32, #tpu.memory_space<hbm>> -> memref<2048xf32, #tpu.memory_space<hbm>>
      tpu.wait_dma2 semaphore(%run_scoped3A : memref<!tpu.dma_semaphore, #tpu.memory_space<semaphore_mem>>) src(%arg11 : memref<2048xf32, #tpu.memory_space<vmem>>) dst(%dma_wait3A_31 : memref<2048xf32, #tpu.memory_space<hbm>>)
      tpu.yield
    }) : () -> ()
    %barrier3A = arith.constant 0 : index
    tpu.barrier barrier_id(%barrier3A)
    %eq3A = arith.constant 0 : i32
    %eq3A_28 = arith.cmpi eq, %arg1, %eq3A : i32
    %convert_element_type3A = arith.extui %eq3A_28 : i1 to i32
    %cond3A = arith.constant 0 : i32
    %cond3A_29 = arith.cmpi ne, %convert_element_type3A, %cond3A : i32
    scf.if %cond3A_29 {
      %scan3A_30 = arith.constant 0 : i32
      %scan3A_31 = arith.constant 0 : i32
      %scan3A_32 = arith.constant 128 : i32
      %scan3A_33 = arith.addi %scan3A_31, %scan3A_32 : i32
      %scan3A_34 = arith.constant 1 : i32
      %scan3A_35 = scf.for %scan3A_83 = %scan3A_31 to %scan3A_33 step %scan3A_34 iter_args(%scan3A_84 = %scan3A_30) -> (i32)  : i32 {
        %mul3A_85 = arith.constant 16 : i32
        %mul3A_86 = arith.muli %scan3A_83, %mul3A_85 : i32
        %swap3A_87 = arith.index_cast %mul3A_86 : i32 to index
        %swap3A_88 = tpu.vector_load %arg11[%swap3A_87] {strides = array<i32>} : memref<2048xf32, #tpu.memory_space<vmem>>, vector<16xf32>,
        tpu.vector_store %arg11[%swap3A_87], %broadcast_in_dim3A_0 {strides = array<i32>} : memref<2048xf32, #tpu.memory_space<vmem>>, vector<16xf32>,
        %scan3A_89 = arith.constant 0 : i32
        scf.yield %scan3A_89 : i32
      }
      %scan3A_36 = arith.constant 128 : i32
      %scan3A_37 = arith.constant 0 : i32
      %scan3A_38 = arith.constant 0 : i32
      %scan3A_39 = arith.constant 16 : i32
      %scan3A_40 = arith.addi %scan3A_38, %scan3A_39 : i32
      %scan3A_41 = arith.constant 1 : i32
      %scan3A_42 = scf.for %scan3A_83 = %scan3A_38 to %scan3A_40 step %scan3A_41 iter_args(%scan3A_84 = %scan3A_37) -> (i32)  : i32 {
        %mul3A_85 = arith.constant 2 : i32
        %mul3A_86 = arith.muli %scan3A_83, %mul3A_85 : i32
        %mul3A_87 = arith.constant 1024 : i32
        %mul3A_88 = arith.muli %mul3A_86, %mul3A_87 : i32
        "tpu.region"() ({
          %run_scoped3A = tpu.sem_alloc : memref<!tpu.dma_semaphore, #tpu.memory_space<semaphore_mem>>
          %dma_start3A = tpu.memref_slice %arg6[%mul3A_88] : memref<32768xf32, #tpu.memory_space<hbm>> -> memref<2048xf32, #tpu.memory_space<hbm>>
          %dma_start3A_97 = tpu.memref_slice %arg6[%mul3A_88] : memref<32768xf32, #tpu.memory_space<hbm>> -> memref<2048xf32, #tpu.memory_space<hbm>>
          tpu.enqueue_dma source(%dma_start3A_97 : memref<2048xf32, #tpu.memory_space<hbm>>) target(%arg12 : memref<2048xf32, #tpu.memory_space<vmem>>) target_semaphore(%run_scoped3A : memref<!tpu.dma_semaphore, #tpu.memory_space<semaphore_mem>>)
          %dma_wait3A = tpu.memref_slice %arg6[%mul3A_88] : memref<32768xf32, #tpu.memory_space<hbm>> -> memref<2048xf32, #tpu.memory_space<hbm>>
          %dma_wait3A_98 = tpu.memref_slice %arg6[%mul3A_88] : memref<32768xf32, #tpu.memory_space<hbm>> -> memref<2048xf32, #tpu.memory_space<hbm>>
          tpu.wait_dma2 semaphore(%run_scoped3A : memref<!tpu.dma_semaphore, #tpu.memory_space<semaphore_mem>>) src(%dma_wait3A_98 : memref<2048xf32, #tpu.memory_space<hbm>>) dst(%arg12 : memref<2048xf32, #tpu.memory_space<vmem>>)
          tpu.yield
        }) : () -> ()
        %scan3A_89 = arith.constant 0 : i32
        %scan3A_90 = arith.constant 0 : i32
        %scan3A_91 = arith.constant 128 : i32
        %scan3A_92 = arith.addi %scan3A_90, %scan3A_91 : i32
        %scan3A_93 = arith.constant 1 : i32
        %scan3A_94 = scf.for %scan3A_97 = %scan3A_90 to %scan3A_92 step %scan3A_93 iter_args(%scan3A_98 = %scan3A_89) -> (i32)  : i32 {
          %mul3A_99 = arith.constant 16 : i32
          %mul3A_100 = arith.muli %scan3A_97, %mul3A_99 : i32
          %get3A_101 = arith.index_cast %mul3A_100 : i32 to index
          %get3A_102 = tpu.vector_load %arg11[%get3A_101] {strides = array<i32>} : memref<2048xf32, #tpu.memory_space<vmem>>, vector<16xf32>,
          %mul3A_103 = arith.constant 16 : i32
          %mul3A_104 = arith.muli %scan3A_97, %mul3A_103 : i32
          %get3A_105 = arith.index_cast %mul3A_104 : i32 to index
          %get3A_106 = tpu.vector_load %arg12[%get3A_105] {strides = array<i32>} : memref<2048xf32, #tpu.memory_space<vmem>>, vector<16xf32>,
          %add3A_107 = arith.addf %get3A_102, %get3A_106 : vector<16xf32>
          %mul3A_108 = arith.constant 16 : i32
          %mul3A_109 = arith.muli %scan3A_97, %mul3A_108 : i32
          %swap3A_110 = arith.index_cast %mul3A_109 : i32 to index
          %swap3A_111 = tpu.vector_load %arg11[%swap3A_110] {strides = array<i32>} : memref<2048xf32, #tpu.memory_space<vmem>>, vector<16xf32>,
          tpu.vector_store %arg11[%swap3A_110], %add3A_107 {strides = array<i32>} : memref<2048xf32, #tpu.memory_space<vmem>>, vector<16xf32>,
          %scan3A_112 = arith.constant 0 : i32
          scf.yield %scan3A_112 : i32
        }
        %scan3A_95 = arith.constant 128 : i32
        %scan3A_96 = arith.constant 0 : i32
        scf.yield %scan3A_96 : i32
      }
      %scan3A_43 = arith.constant 16 : i32
      "tpu.region"() ({
        %run_scoped3A = tpu.sem_alloc : memref<!tpu.dma_semaphore, #tpu.memory_space<semaphore_mem>>
        %dma_start3A = arith.constant 0 : i32
        %dma_start3A_83 = tpu.memref_slice %arg12[%dma_start3A] : memref<2048xf32, #tpu.memory_space<vmem>> -> memref<1024xf32, #tpu.memory_space<vmem>>
        %dma_start3A_84 = arith.constant 0 : i32
        %dma_start3A_85 = tpu.memref_slice %arg12[%dma_start3A_84] : memref<2048xf32, #tpu.memory_space<vmem>> -> memref<1024xf32, #tpu.memory_space<vmem>>
        tpu.enqueue_dma source(%arg4 : memref<1024xf32, #tpu.memory_space<hbm>>) target(%dma_start3A_85 : memref<1024xf32, #tpu.memory_space<vmem>>) target_semaphore(%run_scoped3A : memref<!tpu.dma_semaphore, #tpu.memory_space<semaphore_mem>>)
        %dma_wait3A = arith.constant 0 : i32
        %dma_wait3A_86 = tpu.memref_slice %arg12[%dma_wait3A] : memref<2048xf32, #tpu.memory_space<vmem>> -> memref<1024xf32, #tpu.memory_space<vmem>>
        %dma_wait3A_87 = arith.constant 0 : i32
        %dma_wait3A_88 = tpu.memref_slice %arg12[%dma_wait3A_87] : memref<2048xf32, #tpu.memory_space<vmem>> -> memref<1024xf32, #tpu.memory_space<vmem>>
        tpu.wait_dma2 semaphore(%run_scoped3A : memref<!tpu.dma_semaphore, #tpu.memory_space<semaphore_mem>>) src(%arg4 : memref<1024xf32, #tpu.memory_space<hbm>>) dst(%dma_wait3A_88 : memref<1024xf32, #tpu.memory_space<vmem>>)
        tpu.yield
      }) : () -> ()
      %get3A = arith.constant 0 : index
      %get3A_44 = tpu.vector_load %arg12[%get3A] {strides = array<i32>} : memref<2048xf32, #tpu.memory_space<vmem>>, vector<16xf32>,
      %get3A_45 = arith.constant 128 : index
      %get3A_46 = tpu.vector_load %arg12[%get3A_45] {strides = array<i32>} : memref<2048xf32, #tpu.memory_space<vmem>>, vector<16xf32>,
      %get3A_47 = arith.constant 256 : index
      %get3A_48 = tpu.vector_load %arg12[%get3A_47] {strides = array<i32>} : memref<2048xf32, #tpu.memory_space<vmem>>, vector<16xf32>,
      %scan3A_49 = arith.constant 0x49800000 : f32
      %scan3A_50 = arith.constant 0 : i32
      %scan3A_51 = arith.constant 64 : i32
      %scan3A_52 = arith.addi %scan3A_50, %scan3A_51 : i32
      %scan3A_53 = arith.constant 1 : i32
      %scan3A_54:6 = scf.for %scan3A_83 = %scan3A_50 to %scan3A_52 step %scan3A_53 iter_args(%scan3A_84 = %broadcast_in_dim3A_0, %scan3A_85 = %broadcast_in_dim3A_0, %scan3A_86 = %broadcast_in_dim3A_0, %scan3A_87 = %broadcast_in_dim3A_0, %scan3A_88 = %broadcast_in_dim3A_0, %scan3A_89 = %broadcast_in_dim3A_0) -> (vector<16xf32>, vector<16xf32>, vector<16xf32>, vector<16xf32>, vector<16xf32>, vector<16xf32>)  : i32 {
        %mul3A_90 = arith.constant 16 : i32
        %mul3A_91 = arith.muli %scan3A_83, %mul3A_90 : i32
        %get3A_92 = arith.index_cast %mul3A_91 : i32 to index
        %get3A_93 = tpu.vector_load %arg11[%get3A_92] {strides = array<i32>} : memref<2048xf32, #tpu.memory_space<vmem>>, vector<16xf32>,
        %mul3A_94 = arith.constant 16 : i32
        %mul3A_95 = arith.muli %scan3A_83, %mul3A_94 : i32
        %add3A_96 = arith.constant 1024 : i32
        %add3A_97 = arith.addi %add3A_96, %mul3A_95 : i32
        %get3A_98 = arith.index_cast %add3A_97 : i32 to index
        %get3A_99 = tpu.vector_load %arg11[%get3A_98] {strides = array<i32>} : memref<2048xf32, #tpu.memory_space<vmem>>, vector<16xf32>,
        %broadcast_in_dim3A_100 = arith.constant true
        %broadcast_in_dim3A_101 = vector.broadcast %broadcast_in_dim3A_100 : i1 to vector<16xi1>
        %masked_cumsum3A = tpu.scan <sum>, %get3A_93 masked %broadcast_in_dim3A_101 : vector<16xf32>, vector<16xi1> -> vector<16xf32>
        %add3A_102 = arith.addf %scan3A_84, %masked_cumsum3A : vector<16xf32>
        %broadcast_in_dim3A_103 = arith.constant true
        %broadcast_in_dim3A_104 = vector.broadcast %broadcast_in_dim3A_103 : i1 to vector<16xi1>
        %masked_cumsum3A_105 = tpu.scan <sum>, %get3A_99 masked %broadcast_in_dim3A_104 : vector<16xf32>, vector<16xi1> -> vector<16xf32>
        %add3A_106 = arith.addf %scan3A_85, %masked_cumsum3A_105 : vector<16xf32>
        %sub3A_107 = vector.broadcast %scan3A_49 : f32 to vector<16xf32>
        %sub3A_108 = arith.subf %sub3A_107, %add3A_102 : vector<16xf32>
        %lt3A = arith.cmpf olt, %sub3A_108, %get3A_44 : vector<16xf32>
        %add3A_109 = arith.addf %sub3A_108, %get3A_93 : vector<16xf32>
        %ge3A = arith.cmpf oge, %add3A_109, %get3A_44 : vector<16xf32>
        %and3A = arith.andi %lt3A, %ge3A : vector<16xi1>
        %sub3A_110 = arith.subf %get3A_44, %sub3A_108 : vector<16xf32>
        %jit3A = arith.constant 0.000000e+00 : f32
        %broadcast_in_dim3A_111 = vector.broadcast %jit3A : f32 to vector<16xf32>
        %select_n3A_112 = arith.select %and3A, %sub3A_110, %broadcast_in_dim3A_111 : vector<16xi1>, vector<16xf32>
        %add3A_113 = arith.addf %scan3A_86, %select_n3A_112 : vector<16xf32>
        %jit3A_114 = arith.constant 0.000000e+00 : f32
        %broadcast_in_dim3A_115 = vector.broadcast %jit3A_114 : f32 to vector<16xf32>
        %select_n3A_116 = arith.select %and3A, %add3A_106, %broadcast_in_dim3A_115 : vector<16xi1>, vector<16xf32>
        %add3A_117 = arith.addf %scan3A_87, %select_n3A_116 : vector<16xf32>
        %jit3A_118 = arith.constant 0.000000e+00 : f32
        %broadcast_in_dim3A_119 = vector.broadcast %jit3A_118 : f32 to vector<16xf32>
        %select_n3A_120 = arith.select %and3A, %get3A_99, %broadcast_in_dim3A_119 : vector<16xi1>, vector<16xf32>
        %add3A_121 = arith.addf %scan3A_88, %select_n3A_120 : vector<16xf32>
        %jit3A_122 = arith.constant 0.000000e+00 : f32
        %broadcast_in_dim3A_123 = vector.broadcast %jit3A_122 : f32 to vector<16xf32>
        %select_n3A_124 = arith.select %and3A, %get3A_93, %broadcast_in_dim3A_123 : vector<16xi1>, vector<16xf32>
        %add3A_125 = arith.addf %scan3A_89, %select_n3A_124 : vector<16xf32>
        %reduce_sum3A_126 = arith.constant true
        %reduce_sum3A_127 = vector.broadcast %reduce_sum3A_126 : i1 to vector<16xi1>
        %reduce_sum3A_128 = tpu.scan <sum>, %get3A_93 masked %reduce_sum3A_127 : vector<16xf32>, vector<16xi1> -> vector<16xf32>
        %reduce_sum3A_129 = vector.extract %reduce_sum3A_128[15] : f32 from vector<16xf32>
        %broadcast_in_dim3A_130 = vector.broadcast %reduce_sum3A_129 : f32 to vector<16xf32>
        %add3A_131 = arith.addf %scan3A_84, %broadcast_in_dim3A_130 : vector<16xf32>
        %reduce_sum3A_132 = arith.constant true
        %reduce_sum3A_133 = vector.broadcast %reduce_sum3A_132 : i1 to vector<16xi1>
        %reduce_sum3A_134 = tpu.scan <sum>, %get3A_99 masked %reduce_sum3A_133 : vector<16xf32>, vector<16xi1> -> vector<16xf32>
        %reduce_sum3A_135 = vector.extract %reduce_sum3A_134[15] : f32 from vector<16xf32>
        %broadcast_in_dim3A_136 = vector.broadcast %reduce_sum3A_135 : f32 to vector<16xf32>
        %add3A_137 = arith.addf %scan3A_85, %broadcast_in_dim3A_136 : vector<16xf32>
        scf.yield %add3A_131, %add3A_137, %add3A_113, %add3A_117, %add3A_121, %add3A_125 : vector<16xf32>, vector<16xf32>, vector<16xf32>, vector<16xf32>, vector<16xf32>, vector<16xf32>
      }
      %scan3A_55 = arith.constant 64 : i32
      %reduce_sum3A = arith.constant true
      %reduce_sum3A_56 = vector.broadcast %reduce_sum3A : i1 to vector<16xi1>
      %reduce_sum3A_57 = tpu.scan <sum>, %scan3A_54#2 masked %reduce_sum3A_56 : vector<16xf32>, vector<16xi1> -> vector<16xf32>
      %reduce_sum3A_58 = vector.extract %reduce_sum3A_57[15] : f32 from vector<16xf32>
      %broadcast_in_dim3A_59 = vector.broadcast %reduce_sum3A_58 : f32 to vector<16xf32>
      %reduce_sum3A_60 = arith.constant true
      %reduce_sum3A_61 = vector.broadcast %reduce_sum3A_60 : i1 to vector<16xi1>
      %reduce_sum3A_62 = tpu.scan <sum>, %scan3A_54#3 masked %reduce_sum3A_61 : vector<16xf32>, vector<16xi1> -> vector<16xf32>
      %reduce_sum3A_63 = vector.extract %reduce_sum3A_62[15] : f32 from vector<16xf32>
      %broadcast_in_dim3A_64 = vector.broadcast %reduce_sum3A_63 : f32 to vector<16xf32>
      %reduce_sum3A_65 = arith.constant true
      %reduce_sum3A_66 = vector.broadcast %reduce_sum3A_65 : i1 to vector<16xi1>
      %reduce_sum3A_67 = tpu.scan <sum>, %scan3A_54#4 masked %reduce_sum3A_66 : vector<16xf32>, vector<16xi1> -> vector<16xf32>
      %reduce_sum3A_68 = vector.extract %reduce_sum3A_67[15] : f32 from vector<16xf32>
      %broadcast_in_dim3A_69 = vector.broadcast %reduce_sum3A_68 : f32 to vector<16xf32>
      %reduce_sum3A_70 = arith.constant true
      %reduce_sum3A_71 = vector.broadcast %reduce_sum3A_70 : i1 to vector<16xi1>
      %reduce_sum3A_72 = tpu.scan <sum>, %scan3A_54#5 masked %reduce_sum3A_71 : vector<16xf32>, vector<16xi1> -> vector<16xf32>
      %reduce_sum3A_73 = vector.extract %reduce_sum3A_72[15] : f32 from vector<16xf32>
      %broadcast_in_dim3A_74 = vector.broadcast %reduce_sum3A_73 : f32 to vector<16xf32>
      %gt3A = arith.constant 0.000000e+00 : f32
      %gt3A_75 = vector.broadcast %gt3A : f32 to vector<16xf32>
      %gt3A_76 = arith.cmpf ogt, %broadcast_in_dim3A_59, %gt3A_75 : vector<16xf32>
      %sub3A = arith.subf %scan3A_54#1, %broadcast_in_dim3A_64 : vector<16xf32>
      %mul3A_77 = arith.mulf %broadcast_in_dim3A_59, %broadcast_in_dim3A_69 : vector<16xf32>
      %max3A = arith.constant 1.000000e+00 : f32
      %max3A_78 = vector.broadcast %max3A : f32 to vector<16xf32>
      %max3A_79 = arith.maximumf %broadcast_in_dim3A_74, %max3A_78 : vector<16xf32>
      %div3A = arith.divf %mul3A_77, %max3A_79 : vector<16xf32>
      %add3A = arith.addf %sub3A, %div3A : vector<16xf32>
      %select_n3A = arith.select %gt3A_76, %add3A, %broadcast_in_dim3A_0 : vector<16xi1>, vector<16xf32>
      %add3A_80 = arith.addf %get3A_46, %select_n3A : vector<16xf32>
      %div3A_81 = arith.divf %add3A_80, %get3A_48 : vector<16xf32>
      %swap3A = arith.constant 0 : index
      %swap3A_82 = tpu.vector_load %arg12[%swap3A] {strides = array<i32>} : memref<2048xf32, #tpu.memory_space<vmem>>, vector<16xf32>,
      tpu.vector_store %arg12[%swap3A], %div3A_81 {strides = array<i32>} : memref<2048xf32, #tpu.memory_space<vmem>>, vector<16xf32>,
      "tpu.region"() ({
        %run_scoped3A = tpu.sem_alloc : memref<!tpu.dma_semaphore, #tpu.memory_space<semaphore_mem>>
        %dma_start3A = arith.constant 0 : i32
        %dma_start3A_83 = tpu.memref_slice %arg12[%dma_start3A] : memref<2048xf32, #tpu.memory_space<vmem>> -> memref<16xf32, #tpu.memory_space<vmem>>
        %dma_start3A_84 = arith.constant 0 : i32
        %dma_start3A_85 = tpu.memref_slice %arg12[%dma_start3A_84] : memref<2048xf32, #tpu.memory_space<vmem>> -> memref<16xf32, #tpu.memory_space<vmem>>
        tpu.enqueue_dma source(%dma_start3A_85 : memref<16xf32, #tpu.memory_space<vmem>>) target(%arg5 : memref<16xf32, #tpu.memory_space<hbm>>) target_semaphore(%run_scoped3A : memref<!tpu.dma_semaphore, #tpu.memory_space<semaphore_mem>>)
        %dma_wait3A = arith.constant 0 : i32
        %dma_wait3A_86 = tpu.memref_slice %arg12[%dma_wait3A] : memref<2048xf32, #tpu.memory_space<vmem>> -> memref<16xf32, #tpu.memory_space<vmem>>
        %dma_wait3A_87 = arith.constant 0 : i32
        %dma_wait3A_88 = tpu.memref_slice %arg12[%dma_wait3A_87] : memref<2048xf32, #tpu.memory_space<vmem>> -> memref<16xf32, #tpu.memory_space<vmem>>
        tpu.wait_dma2 semaphore(%run_scoped3A : memref<!tpu.dma_semaphore, #tpu.memory_space<semaphore_mem>>) src(%dma_wait3A_88 : memref<16xf32, #tpu.memory_space<vmem>>) dst(%arg5 : memref<16xf32, #tpu.memory_space<hbm>>)
        tpu.yield
      }) : () -> ()
    } else {
    }
    return
  }
}

module attributes {stable_mosaic.version = 14 : i64} {
  func.func @_tc_body(%arg0: i32, %arg1: i32, %arg2: memref<26x8x2048xf32, #tpu.memory_space<vmem>>, %arg3: memref<21x8x2048xf32, #tpu.memory_space<vmem>>, %arg4: memref<4x8x2048xf32, #tpu.memory_space<vmem>>, %arg5: memref<1x16x8x128xf32, #tpu.memory_space<vmem>>, %arg6: memref<1x16x8x128xi32, #tpu.memory_space<vmem>>, %arg7: memref<8x128xf32, #tpu.memory_space<vmem>>, %arg8: memref<32xf32, #tpu.memory_space<smem>>, %arg9: memref<2xf32, #tpu.memory_space<smem>>) attributes {dimension_semantics = [#tpu.dimension_semantics<arbitrary>, #tpu.dimension_semantics<arbitrary>], iteration_bounds = array<i64: 4, 16>, scalar_prefetch = 0 : i64, scratch_operands = 2 : i64, tpu.core_type = #tpu.core_type<tc>, window_params = [{transform_indices = @transform_0, window_bounds = array<i64: 26, 8, 2048>}, {transform_indices = @transform_1, window_bounds = array<i64: 21, 8, 2048>}, {transform_indices = @transform_2, window_bounds = array<i64: 4, 8, 2048>}, {transform_indices = @transform_3, window_bounds = array<i64: 1, 16, 8, 128>}, {transform_indices = @transform_4, window_bounds = array<i64: 1, 16, 8, 128>}, {pipeline_mode = #tpu.pipeline_mode<synchronous>, transform_indices = @transform_5, window_bounds = array<i64: 8, 128>}]} {
    %eq3A = arith.constant 0 : i32
    %eq3A_0 = arith.cmpi eq, %arg0, %eq3A : i32
    %eq3A_1 = arith.constant 0 : i32
    %eq3A_2 = arith.cmpi eq, %arg1, %eq3A_1 : i32
    %and3A = arith.andi %eq3A_0, %eq3A_2 : i1
    %eq3A_3 = arith.constant 3 : i32
    %eq3A_4 = arith.cmpi eq, %arg0, %eq3A_3 : i32
    %eq3A_5 = arith.constant 15 : i32
    %eq3A_6 = arith.cmpi eq, %arg1, %eq3A_5 : i32
    %and3A_7 = arith.andi %eq3A_4, %eq3A_6 : i1
    %convert_element_type3A = arith.extui %and3A : i1 to i32
    %cond3A = arith.constant 0 : i32
    %cond3A_8 = arith.cmpi ne, %convert_element_type3A, %cond3A : i32
    scf.if %cond3A_8 {
      %scan3A = arith.constant 0 : i32
      %scan3A_283 = arith.constant 32 : i32
      %scan3A_284 = arith.addi %scan3A, %scan3A_283 : i32
      %scan3A_285 = arith.constant 1 : i32
      scf.for %scan3A_298 = %scan3A to %scan3A_284 step %scan3A_285  : i32 {
        %swap3A_299 = arith.constant 0.000000e+00 : f32
        %swap3A_300 = arith.index_cast %scan3A_298 : i32 to index
        %swap3A_301 = memref.load %arg8[%swap3A_300] : memref<32xf32, #tpu.memory_space<smem>>
        memref.store %swap3A_299, %arg8[%swap3A_300] : memref<32xf32, #tpu.memory_space<smem>>
      }
      %scan3A_286 = arith.constant 32 : i32
      %swap3A_287 = arith.constant 0.000000e+00 : f32
      %swap3A_288 = arith.constant 0 : index
      %swap3A_289 = memref.load %arg9[%swap3A_288] : memref<2xf32, #tpu.memory_space<smem>>
      memref.store %swap3A_287, %arg9[%swap3A_288] : memref<2xf32, #tpu.memory_space<smem>>
      %swap3A_290 = arith.constant 0.000000e+00 : f32
      %swap3A_291 = arith.constant 1 : index
      %swap3A_292 = memref.load %arg9[%swap3A_291] : memref<2xf32, #tpu.memory_space<smem>>
      memref.store %swap3A_290, %arg9[%swap3A_291] : memref<2xf32, #tpu.memory_space<smem>>
      %broadcast_in_dim3A_293 = arith.constant 0.000000e+00 : f32
      %broadcast_in_dim3A_294 = vector.broadcast %broadcast_in_dim3A_293 : f32 to vector<8x128xf32>
      %swap3A_295 = arith.constant 0 : index
      %swap3A_296 = arith.constant 0 : index
      %swap3A_297 = vector.load %arg7[%swap3A_295, %swap3A_296] : memref<8x128xf32, #tpu.memory_space<vmem>>, vector<8x128xf32>
      tpu.vector_store %arg7[%swap3A_295, %swap3A_296], %broadcast_in_dim3A_294 {strides = array<i32>} : memref<8x128xf32, #tpu.memory_space<vmem>>, vector<8x128xf32>,
    } else {
    }
    %get3A = arith.constant 0 : index
    %get3A_9 = arith.constant 0 : index
    %get3A_10 = arith.constant 0 : index
    %get3A_11 = vector.load %arg3[%get3A, %get3A_9, %get3A_10] : memref<21x8x2048xf32, #tpu.memory_space<vmem>>, vector<21x8x2048xf32>
    %exp3A = math.exp %get3A_11 : vector<21x8x2048xf32>
    %reduce_sum3A = arith.constant dense<0.000000e+00> : vector<8x2048xf32>
    %reduce_sum3A_12 = vector.multi_reduction <add>, %exp3A, %reduce_sum3A [0] : vector<21x8x2048xf32> to vector<8x2048xf32>
    %broadcast_in_dim3A = vector.shape_cast %reduce_sum3A_12 : vector<8x2048xf32> to vector<1x8x2048xf32>
    %log3A = math.log %broadcast_in_dim3A : vector<1x8x2048xf32>
    %get3A_13 = arith.constant 4 : index
    %get3A_14 = arith.constant 0 : index
    %get3A_15 = arith.constant 0 : index
    %get3A_16 = vector.load %arg2[%get3A_13, %get3A_14, %get3A_15] : memref<26x8x2048xf32, #tpu.memory_space<vmem>>, vector<21x8x2048xf32>
    %reduce_sum3A_17 = arith.constant dense<0.000000e+00> : vector<8x2048xf32>
    %reduce_sum3A_18 = vector.multi_reduction <add>, %get3A_16, %reduce_sum3A_17 [0] : vector<21x8x2048xf32> to vector<8x2048xf32>
    %broadcast_in_dim3A_19 = vector.shape_cast %reduce_sum3A_18 : vector<8x2048xf32> to vector<1x8x2048xf32>
    %mul3A = arith.mulf %get3A_16, %get3A_11 : vector<21x8x2048xf32>
    %reduce_sum3A_20 = arith.constant dense<0.000000e+00> : vector<8x2048xf32>
    %reduce_sum3A_21 = vector.multi_reduction <add>, %mul3A, %reduce_sum3A_20 [0] : vector<21x8x2048xf32> to vector<8x2048xf32>
    %broadcast_in_dim3A_22 = vector.shape_cast %reduce_sum3A_21 : vector<8x2048xf32> to vector<1x8x2048xf32>
    %mul3A_23 = arith.mulf %broadcast_in_dim3A_19, %log3A : vector<1x8x2048xf32>
    %sub3A = arith.subf %mul3A_23, %broadcast_in_dim3A_22 : vector<1x8x2048xf32>
    %get3A_24 = arith.constant 25 : index
    %get3A_25 = arith.constant 0 : index
    %get3A_26 = arith.constant 0 : index
    %get3A_27 = vector.load %arg2[%get3A_24, %get3A_25, %get3A_26] : memref<26x8x2048xf32, #tpu.memory_space<vmem>>, vector<1x8x2048xf32>
    %slice3A = vector.extract_strided_slice %exp3A {offsets = [0, 0, 0], sizes = [1, 8, 2048], strides = [1, 1, 1]} : vector<21x8x2048xf32> to vector<1x8x2048xf32>
    %div3A = arith.divf %slice3A, %broadcast_in_dim3A : vector<1x8x2048xf32>
    %sub3A_28 = arith.constant 1.000000e+00 : f32
    %sub3A_29 = vector.broadcast %sub3A_28 : f32 to vector<1x8x2048xf32>
    %sub3A_30 = arith.subf %sub3A_29, %div3A : vector<1x8x2048xf32>
    %sub3A_31 = arith.constant 1.000000e+00 : f32
    %sub3A_32 = vector.broadcast %sub3A_31 : f32 to vector<1x8x2048xf32>
    %sub3A_33 = arith.subf %sub3A_32, %get3A_27 : vector<1x8x2048xf32>
    %mul3A_34 = arith.mulf %sub3A_30, %sub3A_33 : vector<1x8x2048xf32>
    %get3A_35 = arith.constant 0 : index
    %get3A_36 = arith.constant 0 : index
    %get3A_37 = arith.constant 0 : index
    %get3A_38 = vector.load %arg2[%get3A_35, %get3A_36, %get3A_37] : memref<26x8x2048xf32, #tpu.memory_space<vmem>>, vector<4x8x2048xf32>
    %get3A_39 = arith.constant 0 : index
    %get3A_40 = arith.constant 0 : index
    %get3A_41 = arith.constant 0 : index
    %get3A_42 = vector.load %arg4[%get3A_39, %get3A_40, %get3A_41] : memref<4x8x2048xf32, #tpu.memory_space<vmem>>, vector<4x8x2048xf32>
    %sub3A_43 = arith.subf %get3A_38, %get3A_42 : vector<4x8x2048xf32>
    %abs3A = math.absf %sub3A_43 : vector<4x8x2048xf32>
    %lt3A = arith.constant 1.000000e+00 : f32
    %lt3A_44 = vector.broadcast %lt3A : f32 to vector<4x8x2048xf32>
    %lt3A_45 = arith.cmpf olt, %abs3A, %lt3A_44 : vector<4x8x2048xf32>
    %mul3A_46 = arith.constant 5.000000e-01 : f32
    %mul3A_47 = vector.broadcast %mul3A_46 : f32 to vector<4x8x2048xf32>
    %mul3A_48 = arith.mulf %mul3A_47, %sub3A_43 : vector<4x8x2048xf32>
    %mul3A_49 = arith.mulf %mul3A_48, %sub3A_43 : vector<4x8x2048xf32>
    %sub3A_50 = arith.constant 5.000000e-01 : f32
    %sub3A_51 = vector.broadcast %sub3A_50 : f32 to vector<4x8x2048xf32>
    %sub3A_52 = arith.subf %abs3A, %sub3A_51 : vector<4x8x2048xf32>
    %select_n3A = arith.select %lt3A_45, %mul3A_49, %sub3A_52 : vector<4x8x2048xi1>, vector<4x8x2048xf32>
    %reduce_sum3A_53 = arith.constant dense<0.000000e+00> : vector<8x2048xf32>
    %reduce_sum3A_54 = vector.multi_reduction <add>, %select_n3A, %reduce_sum3A_53 [0] : vector<4x8x2048xf32> to vector<8x2048xf32>
    %broadcast_in_dim3A_55 = vector.shape_cast %reduce_sum3A_54 : vector<8x2048xf32> to vector<1x8x2048xf32>
    %mul3A_56 = arith.constant 1.024000e+03 : f32
    %mul3A_57 = vector.broadcast %mul3A_56 : f32 to vector<1x8x2048xf32>
    %mul3A_58 = arith.mulf %mul3A_34, %mul3A_57 : vector<1x8x2048xf32>
    %convert_element_type3A_59 = arith.fptosi %mul3A_58 : vector<1x8x2048xf32> to vector<1x8x2048xi32>
    %max3A = arith.constant 0 : i32
    %max3A_60 = vector.broadcast %max3A : i32 to vector<1x8x2048xi32>
    %max3A_61 = arith.maxsi %convert_element_type3A_59, %max3A_60 : vector<1x8x2048xi32>
    %min3A = arith.constant 1023 : i32
    %min3A_62 = vector.broadcast %min3A : i32 to vector<1x8x2048xi32>
    %min3A_63 = arith.minsi %max3A_61, %min3A_62 : vector<1x8x2048xi32>
    %iota3A = tpu.iota {dimensions = array<i32: 2>} : vector<1x8x2048xi32>
    %jit3A = arith.constant 16 : i32
    %eq3A_64 = arith.constant 0 : i32
    %eq3A_65 = arith.cmpi eq, %jit3A, %eq3A_64 : i32
    %jit3A_66 = arith.constant 1 : i32
    %select_n3A_67 = arith.select %eq3A_65, %jit3A_66, %jit3A : i32
    %rem3A = vector.broadcast %select_n3A_67 : i32 to vector<1x8x2048xi32>
    %rem3A_68 = arith.remsi %iota3A, %rem3A : vector<1x8x2048xi32>
    %ne3A = arith.constant 0 : i32
    %ne3A_69 = vector.broadcast %ne3A : i32 to vector<1x8x2048xi32>
    %ne3A_70 = arith.cmpi ne, %rem3A_68, %ne3A_69 : vector<1x8x2048xi32>
    %lt3A_71 = arith.constant 0 : i32
    %lt3A_72 = vector.broadcast %lt3A_71 : i32 to vector<1x8x2048xi32>
    %lt3A_73 = arith.cmpi slt, %rem3A_68, %lt3A_72 : vector<1x8x2048xi32>
    %lt3A_74 = arith.constant 0 : i32
    %lt3A_75 = arith.cmpi slt, %select_n3A_67, %lt3A_74 : i32
    %ne3A_76 = vector.broadcast %lt3A_75 : i1 to vector<1x8x2048xi1>
    %ne3A_77 = vector.broadcast %ne3A_76 : vector<1x8x2048xi1> to vector<1x8x2048xi1>
    %ne3A_78 = arith.xori %lt3A_73, %ne3A_77 : vector<1x8x2048xi1>
    %and3A_79 = arith.andi %ne3A_78, %ne3A_70 : vector<1x8x2048xi1>
    %add3A = vector.broadcast %select_n3A_67 : i32 to vector<1x8x2048xi32>
    %add3A_80 = arith.addi %rem3A_68, %add3A : vector<1x8x2048xi32>
    %select_n3A_81 = arith.select %and3A_79, %add3A_80, %rem3A_68 : vector<1x8x2048xi1>, vector<1x8x2048xi32>
    %mul3A_82 = arith.constant 1024 : i32
    %mul3A_83 = vector.broadcast %mul3A_82 : i32 to vector<1x8x2048xi32>
    %mul3A_84 = arith.muli %select_n3A_81, %mul3A_83 : vector<1x8x2048xi32>
    %add3A_85 = arith.addi %min3A_63, %mul3A_84 : vector<1x8x2048xi32>
    %reshape3A = vector.shape_cast %sub3A : vector<1x8x2048xf32> to vector<8x16x128xf32>
    %transpose3A = tpu.transpose %reshape3A, [1, 0, 2] : vector<8x16x128xf32> -> vector<16x8x128xf32>
    %broadcast_in_dim3A_86 = vector.shape_cast %transpose3A : vector<16x8x128xf32> to vector<1x16x8x128xf32>
    %swap3A = arith.constant 0 : index
    %swap3A_87 = arith.constant 0 : index
    %swap3A_88 = arith.constant 0 : index
    %swap3A_89 = arith.constant 0 : index
    %swap3A_90 = vector.load %arg5[%swap3A, %swap3A_87, %swap3A_88, %swap3A_89] : memref<1x16x8x128xf32, #tpu.memory_space<vmem>>, vector<1x16x8x128xf32>
    tpu.vector_store %arg5[%swap3A, %swap3A_87, %swap3A_88, %swap3A_89], %broadcast_in_dim3A_86 {strides = array<i32>} : memref<1x16x8x128xf32, #tpu.memory_space<vmem>>, vector<1x16x8x128xf32>,
    %reshape3A_91 = vector.shape_cast %add3A_85 : vector<1x8x2048xi32> to vector<8x16x128xi32>
    %transpose3A_92 = tpu.transpose %reshape3A_91, [1, 0, 2] : vector<8x16x128xi32> -> vector<16x8x128xi32>
    %broadcast_in_dim3A_93 = vector.shape_cast %transpose3A_92 : vector<16x8x128xi32> to vector<1x16x8x128xi32>
    %swap3A_94 = arith.constant 0 : index
    %swap3A_95 = arith.constant 0 : index
    %swap3A_96 = arith.constant 0 : index
    %swap3A_97 = arith.constant 0 : index
    %swap3A_98 = vector.load %arg6[%swap3A_94, %swap3A_95, %swap3A_96, %swap3A_97] : memref<1x16x8x128xi32, #tpu.memory_space<vmem>>, vector<1x16x8x128xi32>
    tpu.vector_store %arg6[%swap3A_94, %swap3A_95, %swap3A_96, %swap3A_97], %broadcast_in_dim3A_93 {strides = array<i32>} : memref<1x16x8x128xi32, #tpu.memory_space<vmem>>, vector<1x16x8x128xi32>,
    %mul3A_99 = arith.constant 8 : i32
    %mul3A_100 = arith.muli %arg0, %mul3A_99 : i32
    %add3A_101 = arith.constant 0 : i32
    %add3A_102 = arith.addi %mul3A_100, %add3A_101 : i32
    %get3A_103 = arith.index_cast %add3A_102 : i32 to index
    %get3A_104 = memref.load %arg8[%get3A_103] : memref<32xf32, #tpu.memory_space<smem>>
    %slice3A_105 = vector.extract_strided_slice %get3A_27 {offsets = [0, 0, 0], sizes = [1, 1, 2048], strides = [1, 1, 1]} : vector<1x8x2048xf32> to vector<1x1x2048xf32>
    %squeeze3A = vector.shape_cast %slice3A_105 : vector<1x1x2048xf32> to vector<2048xf32>
    %reduce_sum3A_106 = vector.shape_cast %squeeze3A : vector<2048xf32> to vector<1x2048xf32>
    %reduce_sum3A_107 = arith.constant dense<0.000000e+00> : vector<1xf32>
    %reduce_sum3A_108 = vector.multi_reduction <add>, %reduce_sum3A_106, %reduce_sum3A_107 [1] : vector<1x2048xf32> to vector<1xf32>
    %reduce_sum3A_109 = vector.shape_cast %reduce_sum3A_108 : vector<1xf32> to vector<1x1xf32>
    %reduce_sum3A_110 = vector.extract %reduce_sum3A_109[0, 0] : f32 from vector<1x1xf32>
    %add3A_111 = arith.addf %get3A_104, %reduce_sum3A_110 : f32
    %mul3A_112 = arith.constant 8 : i32
    %mul3A_113 = arith.muli %arg0, %mul3A_112 : i32
    %add3A_114 = arith.constant 0 : i32
    %add3A_115 = arith.addi %mul3A_113, %add3A_114 : i32
    %swap3A_116 = arith.index_cast %add3A_115 : i32 to index
    %swap3A_117 = memref.load %arg8[%swap3A_116] : memref<32xf32, #tpu.memory_space<smem>>
    memref.store %add3A_111, %arg8[%swap3A_116] : memref<32xf32, #tpu.memory_space<smem>>
    %mul3A_118 = arith.constant 8 : i32
    %mul3A_119 = arith.muli %arg0, %mul3A_118 : i32
    %add3A_120 = arith.constant 1 : i32
    %add3A_121 = arith.addi %mul3A_119, %add3A_120 : i32
    %get3A_122 = arith.index_cast %add3A_121 : i32 to index
    %get3A_123 = memref.load %arg8[%get3A_122] : memref<32xf32, #tpu.memory_space<smem>>
    %slice3A_124 = vector.extract_strided_slice %get3A_27 {offsets = [0, 1, 0], sizes = [1, 1, 2048], strides = [1, 1, 1]} : vector<1x8x2048xf32> to vector<1x1x2048xf32>
    %squeeze3A_125 = vector.shape_cast %slice3A_124 : vector<1x1x2048xf32> to vector<2048xf32>
    %reduce_sum3A_126 = vector.shape_cast %squeeze3A_125 : vector<2048xf32> to vector<1x2048xf32>
    %reduce_sum3A_127 = arith.constant dense<0.000000e+00> : vector<1xf32>
    %reduce_sum3A_128 = vector.multi_reduction <add>, %reduce_sum3A_126, %reduce_sum3A_127 [1] : vector<1x2048xf32> to vector<1xf32>
    %reduce_sum3A_129 = vector.shape_cast %reduce_sum3A_128 : vector<1xf32> to vector<1x1xf32>
    %reduce_sum3A_130 = vector.extract %reduce_sum3A_129[0, 0] : f32 from vector<1x1xf32>
    %add3A_131 = arith.addf %get3A_123, %reduce_sum3A_130 : f32
    %mul3A_132 = arith.constant 8 : i32
    %mul3A_133 = arith.muli %arg0, %mul3A_132 : i32
    %add3A_134 = arith.constant 1 : i32
    %add3A_135 = arith.addi %mul3A_133, %add3A_134 : i32
    %swap3A_136 = arith.index_cast %add3A_135 : i32 to index
    %swap3A_137 = memref.load %arg8[%swap3A_136] : memref<32xf32, #tpu.memory_space<smem>>
    memref.store %add3A_131, %arg8[%swap3A_136] : memref<32xf32, #tpu.memory_space<smem>>
    %mul3A_138 = arith.constant 8 : i32
    %mul3A_139 = arith.muli %arg0, %mul3A_138 : i32
    %add3A_140 = arith.constant 2 : i32
    %add3A_141 = arith.addi %mul3A_139, %add3A_140 : i32
    %get3A_142 = arith.index_cast %add3A_141 : i32 to index
    %get3A_143 = memref.load %arg8[%get3A_142] : memref<32xf32, #tpu.memory_space<smem>>
    %slice3A_144 = vector.extract_strided_slice %get3A_27 {offsets = [0, 2, 0], sizes = [1, 1, 2048], strides = [1, 1, 1]} : vector<1x8x2048xf32> to vector<1x1x2048xf32>
    %squeeze3A_145 = vector.shape_cast %slice3A_144 : vector<1x1x2048xf32> to vector<2048xf32>
    %reduce_sum3A_146 = vector.shape_cast %squeeze3A_145 : vector<2048xf32> to vector<1x2048xf32>
    %reduce_sum3A_147 = arith.constant dense<0.000000e+00> : vector<1xf32>
    %reduce_sum3A_148 = vector.multi_reduction <add>, %reduce_sum3A_146, %reduce_sum3A_147 [1] : vector<1x2048xf32> to vector<1xf32>
    %reduce_sum3A_149 = vector.shape_cast %reduce_sum3A_148 : vector<1xf32> to vector<1x1xf32>
    %reduce_sum3A_150 = vector.extract %reduce_sum3A_149[0, 0] : f32 from vector<1x1xf32>
    %add3A_151 = arith.addf %get3A_143, %reduce_sum3A_150 : f32
    %mul3A_152 = arith.constant 8 : i32
    %mul3A_153 = arith.muli %arg0, %mul3A_152 : i32
    %add3A_154 = arith.constant 2 : i32
    %add3A_155 = arith.addi %mul3A_153, %add3A_154 : i32
    %swap3A_156 = arith.index_cast %add3A_155 : i32 to index
    %swap3A_157 = memref.load %arg8[%swap3A_156] : memref<32xf32, #tpu.memory_space<smem>>
    memref.store %add3A_151, %arg8[%swap3A_156] : memref<32xf32, #tpu.memory_space<smem>>
    %mul3A_158 = arith.constant 8 : i32
    %mul3A_159 = arith.muli %arg0, %mul3A_158 : i32
    %add3A_160 = arith.constant 3 : i32
    %add3A_161 = arith.addi %mul3A_159, %add3A_160 : i32
    %get3A_162 = arith.index_cast %add3A_161 : i32 to index
    %get3A_163 = memref.load %arg8[%get3A_162] : memref<32xf32, #tpu.memory_space<smem>>
    %slice3A_164 = vector.extract_strided_slice %get3A_27 {offsets = [0, 3, 0], sizes = [1, 1, 2048], strides = [1, 1, 1]} : vector<1x8x2048xf32> to vector<1x1x2048xf32>
    %squeeze3A_165 = vector.shape_cast %slice3A_164 : vector<1x1x2048xf32> to vector<2048xf32>
    %reduce_sum3A_166 = vector.shape_cast %squeeze3A_165 : vector<2048xf32> to vector<1x2048xf32>
    %reduce_sum3A_167 = arith.constant dense<0.000000e+00> : vector<1xf32>
    %reduce_sum3A_168 = vector.multi_reduction <add>, %reduce_sum3A_166, %reduce_sum3A_167 [1] : vector<1x2048xf32> to vector<1xf32>
    %reduce_sum3A_169 = vector.shape_cast %reduce_sum3A_168 : vector<1xf32> to vector<1x1xf32>
    %reduce_sum3A_170 = vector.extract %reduce_sum3A_169[0, 0] : f32 from vector<1x1xf32>
    %add3A_171 = arith.addf %get3A_163, %reduce_sum3A_170 : f32
    %mul3A_172 = arith.constant 8 : i32
    %mul3A_173 = arith.muli %arg0, %mul3A_172 : i32
    %add3A_174 = arith.constant 3 : i32
    %add3A_175 = arith.addi %mul3A_173, %add3A_174 : i32
    %swap3A_176 = arith.index_cast %add3A_175 : i32 to index
    %swap3A_177 = memref.load %arg8[%swap3A_176] : memref<32xf32, #tpu.memory_space<smem>>
    memref.store %add3A_171, %arg8[%swap3A_176] : memref<32xf32, #tpu.memory_space<smem>>
    %mul3A_178 = arith.constant 8 : i32
    %mul3A_179 = arith.muli %arg0, %mul3A_178 : i32
    %add3A_180 = arith.constant 4 : i32
    %add3A_181 = arith.addi %mul3A_179, %add3A_180 : i32
    %get3A_182 = arith.index_cast %add3A_181 : i32 to index
    %get3A_183 = memref.load %arg8[%get3A_182] : memref<32xf32, #tpu.memory_space<smem>>
    %slice3A_184 = vector.extract_strided_slice %get3A_27 {offsets = [0, 4, 0], sizes = [1, 1, 2048], strides = [1, 1, 1]} : vector<1x8x2048xf32> to vector<1x1x2048xf32>
    %squeeze3A_185 = vector.shape_cast %slice3A_184 : vector<1x1x2048xf32> to vector<2048xf32>
    %reduce_sum3A_186 = vector.shape_cast %squeeze3A_185 : vector<2048xf32> to vector<1x2048xf32>
    %reduce_sum3A_187 = arith.constant dense<0.000000e+00> : vector<1xf32>
    %reduce_sum3A_188 = vector.multi_reduction <add>, %reduce_sum3A_186, %reduce_sum3A_187 [1] : vector<1x2048xf32> to vector<1xf32>
    %reduce_sum3A_189 = vector.shape_cast %reduce_sum3A_188 : vector<1xf32> to vector<1x1xf32>
    %reduce_sum3A_190 = vector.extract %reduce_sum3A_189[0, 0] : f32 from vector<1x1xf32>
    %add3A_191 = arith.addf %get3A_183, %reduce_sum3A_190 : f32
    %mul3A_192 = arith.constant 8 : i32
    %mul3A_193 = arith.muli %arg0, %mul3A_192 : i32
    %add3A_194 = arith.constant 4 : i32
    %add3A_195 = arith.addi %mul3A_193, %add3A_194 : i32
    %swap3A_196 = arith.index_cast %add3A_195 : i32 to index
    %swap3A_197 = memref.load %arg8[%swap3A_196] : memref<32xf32, #tpu.memory_space<smem>>
    memref.store %add3A_191, %arg8[%swap3A_196] : memref<32xf32, #tpu.memory_space<smem>>
    %mul3A_198 = arith.constant 8 : i32
    %mul3A_199 = arith.muli %arg0, %mul3A_198 : i32
    %add3A_200 = arith.constant 5 : i32
    %add3A_201 = arith.addi %mul3A_199, %add3A_200 : i32
    %get3A_202 = arith.index_cast %add3A_201 : i32 to index
    %get3A_203 = memref.load %arg8[%get3A_202] : memref<32xf32, #tpu.memory_space<smem>>
    %slice3A_204 = vector.extract_strided_slice %get3A_27 {offsets = [0, 5, 0], sizes = [1, 1, 2048], strides = [1, 1, 1]} : vector<1x8x2048xf32> to vector<1x1x2048xf32>
    %squeeze3A_205 = vector.shape_cast %slice3A_204 : vector<1x1x2048xf32> to vector<2048xf32>
    %reduce_sum3A_206 = vector.shape_cast %squeeze3A_205 : vector<2048xf32> to vector<1x2048xf32>
    %reduce_sum3A_207 = arith.constant dense<0.000000e+00> : vector<1xf32>
    %reduce_sum3A_208 = vector.multi_reduction <add>, %reduce_sum3A_206, %reduce_sum3A_207 [1] : vector<1x2048xf32> to vector<1xf32>
    %reduce_sum3A_209 = vector.shape_cast %reduce_sum3A_208 : vector<1xf32> to vector<1x1xf32>
    %reduce_sum3A_210 = vector.extract %reduce_sum3A_209[0, 0] : f32 from vector<1x1xf32>
    %add3A_211 = arith.addf %get3A_203, %reduce_sum3A_210 : f32
    %mul3A_212 = arith.constant 8 : i32
    %mul3A_213 = arith.muli %arg0, %mul3A_212 : i32
    %add3A_214 = arith.constant 5 : i32
    %add3A_215 = arith.addi %mul3A_213, %add3A_214 : i32
    %swap3A_216 = arith.index_cast %add3A_215 : i32 to index
    %swap3A_217 = memref.load %arg8[%swap3A_216] : memref<32xf32, #tpu.memory_space<smem>>
    memref.store %add3A_211, %arg8[%swap3A_216] : memref<32xf32, #tpu.memory_space<smem>>
    %mul3A_218 = arith.constant 8 : i32
    %mul3A_219 = arith.muli %arg0, %mul3A_218 : i32
    %add3A_220 = arith.constant 6 : i32
    %add3A_221 = arith.addi %mul3A_219, %add3A_220 : i32
    %get3A_222 = arith.index_cast %add3A_221 : i32 to index
    %get3A_223 = memref.load %arg8[%get3A_222] : memref<32xf32, #tpu.memory_space<smem>>
    %slice3A_224 = vector.extract_strided_slice %get3A_27 {offsets = [0, 6, 0], sizes = [1, 1, 2048], strides = [1, 1, 1]} : vector<1x8x2048xf32> to vector<1x1x2048xf32>
    %squeeze3A_225 = vector.shape_cast %slice3A_224 : vector<1x1x2048xf32> to vector<2048xf32>
    %reduce_sum3A_226 = vector.shape_cast %squeeze3A_225 : vector<2048xf32> to vector<1x2048xf32>
    %reduce_sum3A_227 = arith.constant dense<0.000000e+00> : vector<1xf32>
    %reduce_sum3A_228 = vector.multi_reduction <add>, %reduce_sum3A_226, %reduce_sum3A_227 [1] : vector<1x2048xf32> to vector<1xf32>
    %reduce_sum3A_229 = vector.shape_cast %reduce_sum3A_228 : vector<1xf32> to vector<1x1xf32>
    %reduce_sum3A_230 = vector.extract %reduce_sum3A_229[0, 0] : f32 from vector<1x1xf32>
    %add3A_231 = arith.addf %get3A_223, %reduce_sum3A_230 : f32
    %mul3A_232 = arith.constant 8 : i32
    %mul3A_233 = arith.muli %arg0, %mul3A_232 : i32
    %add3A_234 = arith.constant 6 : i32
    %add3A_235 = arith.addi %mul3A_233, %add3A_234 : i32
    %swap3A_236 = arith.index_cast %add3A_235 : i32 to index
    %swap3A_237 = memref.load %arg8[%swap3A_236] : memref<32xf32, #tpu.memory_space<smem>>
    memref.store %add3A_231, %arg8[%swap3A_236] : memref<32xf32, #tpu.memory_space<smem>>
    %mul3A_238 = arith.constant 8 : i32
    %mul3A_239 = arith.muli %arg0, %mul3A_238 : i32
    %add3A_240 = arith.constant 7 : i32
    %add3A_241 = arith.addi %mul3A_239, %add3A_240 : i32
    %get3A_242 = arith.index_cast %add3A_241 : i32 to index
    %get3A_243 = memref.load %arg8[%get3A_242] : memref<32xf32, #tpu.memory_space<smem>>
    %slice3A_244 = vector.extract_strided_slice %get3A_27 {offsets = [0, 7, 0], sizes = [1, 1, 2048], strides = [1, 1, 1]} : vector<1x8x2048xf32> to vector<1x1x2048xf32>
    %squeeze3A_245 = vector.shape_cast %slice3A_244 : vector<1x1x2048xf32> to vector<2048xf32>
    %reduce_sum3A_246 = vector.shape_cast %squeeze3A_245 : vector<2048xf32> to vector<1x2048xf32>
    %reduce_sum3A_247 = arith.constant dense<0.000000e+00> : vector<1xf32>
    %reduce_sum3A_248 = vector.multi_reduction <add>, %reduce_sum3A_246, %reduce_sum3A_247 [1] : vector<1x2048xf32> to vector<1xf32>
    %reduce_sum3A_249 = vector.shape_cast %reduce_sum3A_248 : vector<1xf32> to vector<1x1xf32>
    %reduce_sum3A_250 = vector.extract %reduce_sum3A_249[0, 0] : f32 from vector<1x1xf32>
    %add3A_251 = arith.addf %get3A_243, %reduce_sum3A_250 : f32
    %mul3A_252 = arith.constant 8 : i32
    %mul3A_253 = arith.muli %arg0, %mul3A_252 : i32
    %add3A_254 = arith.constant 7 : i32
    %add3A_255 = arith.addi %mul3A_253, %add3A_254 : i32
    %swap3A_256 = arith.index_cast %add3A_255 : i32 to index
    %swap3A_257 = memref.load %arg8[%swap3A_256] : memref<32xf32, #tpu.memory_space<smem>>
    memref.store %add3A_251, %arg8[%swap3A_256] : memref<32xf32, #tpu.memory_space<smem>>
    %get3A_258 = arith.constant 0 : index
    %get3A_259 = memref.load %arg9[%get3A_258] : memref<2xf32, #tpu.memory_space<smem>>
    %mul3A_260 = arith.mulf %sub3A, %get3A_27 : vector<1x8x2048xf32>
    %reduce_sum3A_261 = vector.shape_cast %mul3A_260 : vector<1x8x2048xf32> to vector<1x1x8x2048xf32>
    %reduce_sum3A_262 = arith.constant dense<0.000000e+00> : vector<1xf32>
    %reduce_sum3A_263 = vector.multi_reduction <add>, %reduce_sum3A_261, %reduce_sum3A_262 [1, 2, 3] : vector<1x1x8x2048xf32> to vector<1xf32>
    %reduce_sum3A_264 = vector.shape_cast %reduce_sum3A_263 : vector<1xf32> to vector<1x1x1x1xf32>
    %reduce_sum3A_265 = vector.extract %reduce_sum3A_264[0, 0, 0, 0] : f32 from vector<1x1x1x1xf32>
    %add3A_266 = arith.addf %get3A_259, %reduce_sum3A_265 : f32
    %swap3A_267 = arith.constant 0 : index
    %swap3A_268 = memref.load %arg9[%swap3A_267] : memref<2xf32, #tpu.memory_space<smem>>
    memref.store %add3A_266, %arg9[%swap3A_267] : memref<2xf32, #tpu.memory_space<smem>>
    %get3A_269 = arith.constant 1 : index
    %get3A_270 = memref.load %arg9[%get3A_269] : memref<2xf32, #tpu.memory_space<smem>>
    %mul3A_271 = arith.mulf %broadcast_in_dim3A_55, %get3A_27 : vector<1x8x2048xf32>
    %reduce_sum3A_272 = vector.shape_cast %mul3A_271 : vector<1x8x2048xf32> to vector<1x1x8x2048xf32>
    %reduce_sum3A_273 = arith.constant dense<0.000000e+00> : vector<1xf32>
    %reduce_sum3A_274 = vector.multi_reduction <add>, %reduce_sum3A_272, %reduce_sum3A_273 [1, 2, 3] : vector<1x1x8x2048xf32> to vector<1xf32>
    %reduce_sum3A_275 = vector.shape_cast %reduce_sum3A_274 : vector<1xf32> to vector<1x1x1x1xf32>
    %reduce_sum3A_276 = vector.extract %reduce_sum3A_275[0, 0, 0, 0] : f32 from vector<1x1x1x1xf32>
    %add3A_277 = arith.addf %get3A_270, %reduce_sum3A_276 : f32
    %swap3A_278 = arith.constant 1 : index
    %swap3A_279 = memref.load %arg9[%swap3A_278] : memref<2xf32, #tpu.memory_space<smem>>
    memref.store %add3A_277, %arg9[%swap3A_278] : memref<2xf32, #tpu.memory_space<smem>>
    %convert_element_type3A_280 = arith.extui %and3A_7 : i1 to i32
    %cond3A_281 = arith.constant 0 : i32
    %cond3A_282 = arith.cmpi ne, %convert_element_type3A_280, %cond3A_281 : i32
    scf.if %cond3A_282 {
      %scan3A = arith.constant 0.000000e+00 : f32
      %scan3A_283 = arith.constant 0.000000e+00 : f32
      %scan3A_284 = arith.constant 0.000000e+00 : f32
      %scan3A_285 = arith.constant 0 : i32
      %scan3A_286 = arith.constant 32 : i32
      %scan3A_287 = arith.addi %scan3A_285, %scan3A_286 : i32
      %scan3A_288 = arith.constant 1 : i32
      %scan3A_289:3 = scf.for %scan3A_309 = %scan3A_285 to %scan3A_287 step %scan3A_288 iter_args(%scan3A_310 = %scan3A, %scan3A_311 = %scan3A_283, %scan3A_312 = %scan3A_284) -> (f32, f32, f32)  : i32 {
        %get3A_313 = arith.index_cast %scan3A_309 : i32 to index
        %get3A_314 = memref.load %arg8[%get3A_313] : memref<32xf32, #tpu.memory_space<smem>>
        %mul3A_315 = arith.constant 3.000000e+00 : f32
        %mul3A_316 = arith.mulf %mul3A_315, %get3A_314 : f32
        %sub3A_317 = arith.constant 3.276800e+04 : f32
        %sub3A_318 = arith.subf %sub3A_317, %get3A_314 : f32
        %min3A_319 = arith.minimumf %mul3A_316, %sub3A_318 : f32
        %add3A_320 = arith.addf %scan3A_310, %min3A_319 : f32
        %gt3A_321 = arith.constant 0.000000e+00 : f32
        %gt3A_322 = arith.cmpf ogt, %min3A_319, %gt3A_321 : f32
        %jit3A_323 = arith.constant 1.000000e+00 : f32
        %jit3A_324 = arith.constant 0.000000e+00 : f32
        %select_n3A_325 = arith.select %gt3A_322, %jit3A_323, %jit3A_324 : f32
        %add3A_326 = arith.addf %scan3A_311, %select_n3A_325 : f32
        %ne3A_327 = arith.constant 0.000000e+00 : f32
        %ne3A_328 = arith.cmpf one, %get3A_314, %ne3A_327 : f32
        %jit3A_329 = arith.constant 1.000000e+00 : f32
        %select_n3A_330 = arith.select %ne3A_328, %get3A_314, %jit3A_329 : f32
        %add3A_331 = arith.addf %scan3A_312, %select_n3A_330 : f32
        scf.yield %add3A_320, %add3A_326, %add3A_331 : f32, f32, f32
      }
      %scan3A_290 = arith.constant 32 : i32
      %gt3A = arith.constant 0.000000e+00 : f32
      %gt3A_291 = arith.cmpf ogt, %scan3A_289#1, %gt3A : f32
      %jit3A_292 = arith.constant 1.000000e+02 : f32
      %select_n3A_293 = arith.select %gt3A_291, %scan3A_289#0, %jit3A_292 : f32
      %floor3A = math.floor %select_n3A_293 : f32
      %get3A_294 = arith.constant 0 : index
      %get3A_295 = memref.load %arg9[%get3A_294] : memref<2xf32, #tpu.memory_space<smem>>
      %get3A_296 = arith.constant 1 : index
      %get3A_297 = memref.load %arg9[%get3A_296] : memref<2xf32, #tpu.memory_space<smem>>
      %mul3A_298 = arith.constant 1.000000e+00 : f32
      %mul3A_299 = arith.mulf %mul3A_298, %get3A_297 : f32
      %add3A_300 = arith.addf %get3A_295, %mul3A_299 : f32
      %broadcast_in_dim3A_301 = vector.broadcast %floor3A : f32 to vector<1x128xf32>
      %broadcast_in_dim3A_302 = vector.broadcast %add3A_300 : f32 to vector<1x128xf32>
      %broadcast_in_dim3A_303 = vector.broadcast %scan3A_289#2 : f32 to vector<1x128xf32>
      %broadcast_in_dim3A_304 = arith.constant 0.000000e+00 : f32
      %broadcast_in_dim3A_305 = vector.broadcast %broadcast_in_dim3A_304 : f32 to vector<5x128xf32>
      %concatenate3A = tpu.concatenate %broadcast_in_dim3A_301, %broadcast_in_dim3A_302, %broadcast_in_dim3A_303, %broadcast_in_dim3A_305 in 0 : vector<1x128xf32>, vector<1x128xf32>, vector<1x128xf32>, vector<5x128xf32> -> vector<8x128xf32>
      %swap3A_306 = arith.constant 0 : index
      %swap3A_307 = arith.constant 0 : index
      %swap3A_308 = vector.load %arg7[%swap3A_306, %swap3A_307] : memref<8x128xf32, #tpu.memory_space<vmem>>, vector<8x128xf32>
      tpu.vector_store %arg7[%swap3A_306, %swap3A_307], %concatenate3A {strides = array<i32>} : memref<8x128xf32, #tpu.memory_space<vmem>>, vector<8x128xf32>,
    } else {
    }
    return
  }
  func.func @transform_0(%arg0: i32, %arg1: i32) -> (i32, i32, i32) {
    %c0_i32 = arith.constant 0 : i32
    %c0_i32_0 = arith.constant 0 : i32
    return %c0_i32, %arg0, %arg1 : i32, i32, i32
  }
  func.func @transform_1(%arg0: i32, %arg1: i32) -> (i32, i32, i32) {
    %c0_i32 = arith.constant 0 : i32
    %c0_i32_0 = arith.constant 0 : i32
    return %c0_i32, %arg0, %arg1 : i32, i32, i32
  }
  func.func @transform_2(%arg0: i32, %arg1: i32) -> (i32, i32, i32) {
    %c0_i32 = arith.constant 0 : i32
    %c0_i32_0 = arith.constant 0 : i32
    return %c0_i32, %arg0, %arg1 : i32, i32, i32
  }
  func.func @transform_3(%arg0: i32, %arg1: i32) -> (i32, i32, i32, i32) {
    %c0_i32 = arith.constant 0 : i32
    %c0_i32_0 = arith.constant 0 : i32
    %c0_i32_1 = arith.constant 0 : i32
    return %arg0, %arg1, %c0_i32, %c0_i32_0 : i32, i32, i32, i32
  }
  func.func @transform_4(%arg0: i32, %arg1: i32) -> (i32, i32, i32, i32) {
    %c0_i32 = arith.constant 0 : i32
    %c0_i32_0 = arith.constant 0 : i32
    %c0_i32_1 = arith.constant 0 : i32
    return %arg0, %arg1, %c0_i32, %c0_i32_0 : i32, i32, i32, i32
  }
  func.func @transform_5(%arg0: i32, %arg1: i32) -> (i32, i32) {
    %c0_i32 = arith.constant 0 : i32
    %c0_i32_0 = arith.constant 0 : i32
    %c0_i32_1 = arith.constant 0 : i32
    return %c0_i32, %c0_i32_0 : i32, i32
  }
}

</mosaic_0001>

<sc_bundles>
// kernel: kernel.4.cloned.1.call-start
scs
__scs_entry_jumppad:
0x0: {  	(pc) =	sbr.rel $0x88, $3  }
0x1: {  	(tag) =	ssettag $0x0;
	lr =	simm.s32 $0x1  }
0x2: {  	[smem:$0x3F9E] =	sst lr;
	_ =	strace $0xD0000000  }
0x3: {  	_ = 	snop  }
0x4: {  	_ = 	snop  }
0x5: {  	_ = 	snop  }
0x6: {  	_ = 	snop  }
0x7: {  	_ = 	snop  }
__scs_overlays_trampoline_lowered:
0x8: {  	[smem:$0x3FAD] =	sst s0  }
0x9: {  	[smem:$0x3FAE] =	sst s1  }
0xa: {  	[smem:$0x3FAF] =	sst s2  }
0xb: {  	[smem:$0x3FB0] =	sst s3  }
0xc: {  	[smem:$0x3FB1] =	sst s4  }
0xd: {  	[smem:$0x3FB2] =	sst s5  }
0xe: {  	[smem:$0x3FB3] =	sst s6  }
0xf: {  	[smem:$0x3FB4] =	sst s7  }
0x10: {  	[smem:$0x3FB5] =	sst s8  }
0x11: {  	[smem:$0x3FB6] =	sst s9;
	s0 =	simm.s32 @!p0 $0x0  }
0x12: {  	s1 =	sld [smem:$0x3F9C];
	s0 =	simm.s32 @p0 $0x1  }
0x13: {  	[smem:$0x3FB7] =	sst s0;
	s0 =	simm.s32 @!p1 $0x0  }
0x14: {  	s2 =	sld [smem:$0x3F9B];
	s0 =	simm.s32 @p1 $0x1  }
0x15: {  	[smem:$0x3FB8] =	sst s0;
	s0 =	simm.s32 @!p2 $0x0  }
0x16: {  	s3 =	sld [smem:$0x3FDB];
	s0 =	simm.s32 @p2 $0x1  }
0x17: {  	s4 =	simm.s32 $0x1BF5;
	[smem:$0x3FBA] =	sst s0  }
0x18: {  	s0 =	sld [smem:$0x3F9D];
	_ =	swait.ge [sflag:s4], $0x0  }
0x19: {  	s7 =	sld [smem:$0x3F9E]  }
0x1a: {  	s8 =	sadd.s32 $0xFFFFE003, lr  }
0x1b: {  	s9 =	sadd.s32 $0xFFFFFEF7, lr;
	s5 =	simm.s32 $0xFFFFFFFF;
	p2 =	slt.u32 s8, $0xFFFFF086  }
0x1c: {  	p1 =	slt.u32 s9, $0xF7A;
	s5 =	simm.s32 @!p2 $0x0  }
0x1d: {  	s5 =	simm.s32 @p1 $0x1;
	p0 =	seq.s32 s7, s2  }
0x1e: {  	s7 =	smul.u32 @!p0 $0xF7A, s2;
	p2 =	seq.s32 @!p0 s5, $0x0  }
0x1f: {  	s9 =	smul.u32 $0xF7A, s1;
	s8 =	simm.s32 @!p0 $0x1BF5;
	p2 =	por !p2, p0  }
0x20: {  	[sflag:s8] =	ssyncset.s32 @!p0 $0xFFFFF086;
	s6 =	sadd.s32 @!p0 s3, s7;
	s7 =	simm.s32 @!p0 $0x108  }
0x21: {  	s3 =	sadd.s32 s3, s9;
	s6 =	sadd.s32 @!p0 $0x88, s6;
	s7 =	simm.s32 @p2 $0x1082  }
0x22: {  	[simem:s7], [sflag:s8] =	dma.local @!p0 [hbm:s6], $0xF7A  }
0x23: {  	s9 =	sor.u32 $0xD0000000, s2;
	s6 =	simm.s32 $0x108;
	_ =	swait.ge @!p0 [sflag:s8], $0x0  }
0x24: {  	s3 =	sadd.s32 $0x88, s3;
	s6 =	simm.s32 @!p1 $0x1082;
	[sflag:s4] =	ssyncset.s32 $0xFFFFF086  }
0x25: {  	[simem:s6], [sflag:s4] =	dma.local [hbm:s3], $0xF7A  }
0x26: {  	[smem:$0x3F9E] =	sst s1;
	(tag) =	ssettag s2;
	_ =	strace s9  }
0x27: {  	s1 =	sld [smem:$0x3FAE]  }
0x28: {  	s2 =	sld [smem:$0x3FAF]  }
0x29: {  	s4 =	sld [smem:$0x3FB1]  }
0x2a: {  	p0 =	seq.s32 s5, $0x0;
	s5 =	sld [smem:$0x3FB2]  }
0x2b: {  	s6 =	sld [smem:$0x3FB3]  }
0x2c: {  	s7 =	sld [smem:$0x3FB4]  }
0x2d: {  	s3 =	simm.s32 $0x108;
	s8 =	sld [smem:$0x3FB5]  }
0x2e: {  	s3 =	simm.s32 @!p0 $0x1082;
	s9 =	sld [smem:$0x3FB6]  }
0x2f: {  	lr =	sadd.s32 s0, s3;
	s0 =	sld [smem:$0x3FAD]  }
0x30: {  	s3 =	sld [smem:$0x3FB0]  }
0x31: {  	[smem:$0x3FB9] =	sst s10  }
0x32: {  	s10 =	sld [smem:$0x3FB7];
	_ =	sdelay $0x3  }
0x33: {  	p0 =	seq.s32 s10, $0x1;
	s10 =	sld [smem:$0x3FB9];
	_ =	sdelay $0x3  }
0x34: {  	[smem:$0x3FB9] =	sst s10  }
0x35: {  	s10 =	sld [smem:$0x3FB8];
	_ =	sdelay $0x3  }
0x36: {  	p1 =	seq.s32 s10, $0x1;
	s10 =	sld [smem:$0x3FB9];
	_ =	sdelay $0x3  }
0x37: {  	[smem:$0x3FB9] =	sst s10  }
0x38: {  	s10 =	sld [smem:$0x3FBA]  }
0x39: {  	_ = 	snop;
	(pc) =	sbr.ind lr, $3  }
0x3a: {  	_ = 	snop  }
0x3b: {  	_ = 	snop  }
0x3c: {  	p2 =	seq.s32 s10, $0x1;
	s10 =	sld [smem:$0x3FB9]  }
0x3d: {  	_ =	shalt  }
0x3e: {  	_ =	shalt  }
0x3f: {  	_ =	shalt  }
0x40: {  	_ =	shalt  }
0x41: {  	_ =	shalt  }
0x42: {  	_ =	shalt  }
0x43: {  	_ =	shalt  }
0x44: {  	_ =	shalt  }
0x45: {  	_ =	shalt  }
0x46: {  	_ =	shalt  }
0x47: {  	_ =	shalt  }
0x48: {  	_ =	shalt  }
0x49: {  	_ =	shalt  }
0x4a: {  	_ =	shalt  }
0x4b: {  	_ =	shalt  }
0x4c: {  	_ =	shalt  }
0x4d: {  	_ =	shalt  }
0x4e: {  	_ =	shalt  }
0x4f: {  	_ =	shalt  }
0x50: {  	_ =	shalt  }
0x51: {  	_ =	shalt  }
0x52: {  	_ =	shalt  }
0x53: {  	_ =	shalt  }
0x54: {  	_ =	shalt  }
0x55: {  	_ =	shalt  }
0x56: {  	_ =	shalt  }
0x57: {  	_ =	shalt  }
0x58: {  	_ =	shalt  }
0x59: {  	_ =	shalt  }
0x5a: {  	_ =	shalt  }
0x5b: {  	_ =	shalt  }
0x5c: {  	_ =	shalt  }
0x5d: {  	_ =	shalt  }
0x5e: {  	_ =	shalt  }
0x5f: {  	_ =	shalt  }
0x60: {  	_ =	shalt  }
0x61: {  	_ =	shalt  }
0x62: {  	_ =	shalt  }
0x63: {  	_ =	shalt  }
0x64: {  	_ =	shalt  }
0x65: {  	_ =	shalt  }
0x66: {  	_ =	shalt  }
0x67: {  	_ =	shalt  }
0x68: {  	_ =	shalt  }
0x69: {  	_ =	shalt  }
0x6a: {  	_ =	shalt  }
0x6b: {  	_ =	shalt  }
0x6c: {  	_ =	shalt  }
0x6d: {  	_ =	shalt  }
0x6e: {  	_ =	shalt  }
0x6f: {  	_ =	shalt  }
0x70: {  	_ =	shalt  }
0x71: {  	_ =	shalt  }
0x72: {  	_ =	shalt  }
0x73: {  	_ =	shalt  }
0x74: {  	_ =	shalt  }
0x75: {  	_ =	shalt  }
0x76: {  	_ =	shalt  }
0x77: {  	_ =	shalt  }
0x78: {  	_ =	shalt  }
0x79: {  	_ =	shalt  }
0x7a: {  	_ =	shalt  }
0x7b: {  	_ =	shalt  }
0x7c: {  	_ =	shalt  }
0x7d: {  	_ =	shalt  }
0x7e: {  	_ =	shalt  }
0x7f: {  	_ =	shalt  }
0x80: {  	_ =	shalt  }
0x81: {  	_ =	shalt  }
0x82: {  	_ =	shalt  }
0x83: {  	_ =	shalt  }
0x84: {  	_ =	shalt  }
0x85: {  	_ =	shalt  }
0x86: {  	_ =	shalt  }
0x87: {  	_ =	shalt  }
.Lfunc_end0:
.L_simem_size_0:
called_computation_lowered:
.L_overlay_start_0:
0x88: {  	s0 =	sld [smem:$0x3FD9]  }
0x89: {  	s1 =	sld [smem:$0x3FFE];
	_ =	sdelay $0x3  }
0x8a: {  	s0 =	sadd.s32 s1, s0  }
0x8b: {  	[smem:$0x3FC5] =	sst s0  }
0x8c: {  	_ = 	snop  }
0x8d: {  	s0 =	sld [smem:$0x3FD0];
	(tm) =	ssettm $0x1  }
0x8e: {  	s16 =	sld [smem:$0x3FFB];
	_ =	sdelay $0x3  }
0x8f: {  	_ =	strace s16  }
0x90: {  	s1 =	sld [smem:$0x3FFC];
	_ =	sdelay $0x3  }
0x91: {  	_ =	strace s1  }
0x92: {  	s1 =	sld [smem:$0x3FFD];
	_ =	sdelay $0x3  }
0x93: {  	_ =	strace s1  }
0x94: {  	_ =	strace $0x8FFFFFFF  }
0x95: {  	s17 =	sld [smem:$0x3FDB];
	_ =	sdelay $0x1  }
0x96: {  	s2 =	simm.s32 $_scs_section_size  }
0x97: {  	s3 =	simm.s32 $_size__tile_overlayer_lowered;
	s4 =	simm.s32 $_tile_overlayer_lowered  }
0x98: {  	s20 =	simm.s32 $0x1BFF;
	s19 =	sshll.u32 s4, $0x1;
	s1 =	sadd.s32 s2, s17  }
0x99: {  	s5 =	simm.s32 $0x0;
	s18 =	sshll.u32 s3, $0x1;
	s3 =	sadd.s32 s19, s1  }
0x9a: {  	[timem:s5], [sflag:s20] =	dma.local [hbm:s3], s18  }
0x9b: {  	_ =	swait.ge [sflag:s20], s18  }
0x9c: {  	s2 =	ssub.s32 $0x0, s18;
	[sflag:s20] =	ssyncset.done $0x0  }
0x9d: {  	[sflag:s20] =	ssyncadd.s32 s2;
	_ =	sdelay $0x1  }
0x9e: {  	s21 =	simm.s32 $0x1B8B  }
0x9f: {  	_ =	swait.ge [sflag:s21], $0x1  }
0xa0: {  	[sflag:s21] =	ssyncset.done $0x0  }
0xa1: {  	s23 =	simm.s32 $0x1B8E;
	s22 =	sld [smem:$0x3FFE];
	[sflag:s21] =	ssyncadd.s32 $0xFFFFFFFF  }
0xa2: {  	s24 =	simm.s32 $execute0_lowered;
	[smem:$0x3FD2] =	sst s23  }
0xa3: {  	s3 =	sshll.u32 s24, $0x1;
	_ =	strace $0x80000046;
	[dreg:$0x1] =	wrdreg $0xFFFFFFFF  }
0xa4: {  	s25 =	simm.s32 $_size_execute0_lowered;
	s1 =	sadd.s32 s1, s3;
	[dreg:$0x0] =	wrdreg $0x0  }
0xa5: {  	s3 =	sshll.u32 s25, $0x1;
	[dreg:$0x2] =	wrdreg s1  }
0xa6: {  	[dreg:$0x3] =	wrdreg s3  }
0xa7: {  	[dreg:$0x4] =	wrdreg $0xC0  }
0xa8: {  	_ =	task [dreg:s5], $0x5FFFF  }
0xa9: {  	[dreg:$0x1] =	wrdreg $0xFFFFFFFF  }
0xaa: {  	[dreg:$0x0] =	wrdreg $0x60  }
0xab: {  	[dreg:$0x2] =	wrdreg s22  }
0xac: {  	[dreg:$0x3] =	wrdreg s0  }
0xad: {  	[dreg:$0x4] =	wrdreg $0x9  }
0xae: {  	_ =	task.clear_ibuf [dreg:s5], $0x5FFFF;
	_ =	strace $0x90000046  }
0xaf: {  	s26 =	simm.s32 $0x9;
	_ =	strace $0x80000048  }
0xb0: {  	_ =	swait.ge [sflag:s26], $0x1  }
0xb1: {  	[sflag:s26] =	ssyncadd.s32 $0xFFFFFFFF  }
0xb2: {  	_ =	strace $0x90000048  }
0xb3: {  	_ =	sfence  }
0xb4: {  	s28 =	sld [smem:$0x0];
	_ =	sdelay $0x1  }
0xb5: {  	s29 =	srdreg.scid  }
0xb6: {  	s30 =	sshll.u32 s29, $0xD;
	s31 =	sshrl.u32 s29, $0x2  }
0xb7: {  	s2 =	sand.u32 $0x4000, s30;
	s1 =	sand.u32 $0x1, s29;
	s0 =	sadd.s32 s31, s28  }
0xb8: {  	s1 =	sor.u32 s2, s1;
	s0 =	sshll.u32 s0, $0x11  }
0xb9: {  	s0 =	sor.u32 s0, s1  }
0xba: {  	s0 =	sadd.s32 $0x8F2B, s0  }
0xbb: {  	[sflag:s0] =	ssyncadd.remote.s32 $0x1  }
0xbc: {  	_ =	sfence.sel $0xFFFF  }
0xbd: {  	[dreg:$0x0] =	wrdreg $0xFFFFFFFF;
	(pc) =	sbr.abs _section_cstart, $3  }
0xbe: {  	[dreg:$0x1] =	wrdreg $0xFFFFFFFF  }
0xbf: {  	_ =	task.clear_ibuf [dreg:s5], $0x2FFFF;
	_ =	strace $0x9FFFFFFF  }
0xc0: {  	(tm) =	ssettm $0x7FFFFFFF  }
0xc1: {  	_ =	shalt  }
tec
execute0_lowered:
.L_overlay_start_1:
0x0: {  	(tag) =	ssettag $0x1  }
0x1: {  	s3 =	rddreg [dreg:$0x0]  }
0x2: {  	s1 =	rddreg [dreg:$0x1]  }
0x3: {  	s0 =	rddreg [dreg:$0x2];
	s2 =	simm.s32 $0x0  }
0x4: {  	s4 =	stileid.u32;
	s7 =	simm.s32 $0x40;
	s11 =	simm.s32 $0x0  }
0x5: {  	[smem:$0x7FF] =	sst s2;
	s5 =	sadd.s32 $0x1000, s3;
	s6 =	sadd.s32 $0x21000, s3  }
0x6: {  	v0 =	vimm.f32 $0.0e+00;
	s2 =	sadd.s32 $0x41000, s3;
	s3 =	sadd.s32 $0x41200, s3;
	_ =	strace $0x80000047  }
.LBB2_1:
0x7: {  	p0 =	sne.s32 s7, $0xFFC0;
	[tilespmem:s11+$0x0] =	vst v0;
	s8 =	smov.u32 s7;
	s7 =	sadd.s32 $0x40, s7  }
.Ltmp0:
0x8: {  	[tilespmem:s11+$0x4000] =	vst v0;
	(pc) =	sbr.rel @p0 .LBB2_1-.Ltmp0, $2  }
0x9: {  	_ =	sdelay $0x2  }
0xa: {  	s11 =	sshra.s32 s8, $0x2  }
0xb: {  	s7 =	sshll.u32 s4, $0xD  }
0xc: {  	[tilespmem:s11+$0x0] =	vst v0;
	s8 =	simm.s32 $0x0;
	s9 =	simm.s32 $0x8000;
	s10 =	simm.s32 $0x1  }
0xd: {  	[tilespmem:s11+$0x4000] =	vst v0;
	s11 =	simm.s32 $0xA000;
	v0 =	vimm.f32 $1.000000000e+00;
	s12 =	simm.s32 $0x4000;
	s13 =	simm.s32 $0x0  }
.LBB2_3:
0xe: {  	s14 =	sshll.u32 s13, $0xA  }
0xf: {  	s14 =	sadd.s32 s7, s14  }
0x10: {  	s15 =	sadd.s32 s5, s14  }
0x11: {  	[tilespmem:s9], [sflag:$0x1] =	stream.linear.gather [hbm4b:s15+s8], $0x2000, $0x38;
	[tilespmem:$0xD000] =	vst v63  }
0x12: {  	_ =	swait.ge [sflag:s10], $0x2000  }
0x13: {  	[sflag:s10] =	ssyncset.done $0x0  }
0x14: {  	s14 =	sadd.s32 s6, s14;
	[sflag:s10] =	ssyncadd.s32 $0xFFFFE000  }
0x15: {  	[tilespmem:s11], [sflag:$0x1] =	stream.linear.gather [hbm4b:s14+s8], $0x2000, $0x38;
	[tilespmem:$0xD000] =	vst v63  }
0x16: {  	_ =	swait.ge [sflag:s10], $0x2000  }
0x17: {  	[sflag:s10] =	ssyncset.done $0x0  }
0x18: {  	s15 =	simm.s32 $0x0;
	[sflag:s10] =	ssyncadd.s32 $0xFFFFE000  }
0x19: {  	s14 =	simm.s32 $0x40;
	v1 =	vld [tilespmem:s15+$0x8000]  }
.LBB2_4:
0x1a: {  	p0 =	sne.s32 s14, $0x7FC0;
	_ =	sdelay $0x2  }
0x1b: {  	v2 =	vld [tilespmem:s15+$0xA000];
	_ =	sdelay $0x1  }
.Ltmp1:
0x1c: {  	(pc) =	sbr.rel @p0 .LBB2_4-.Ltmp1, $4  }
0x1d: {  	_ = 	snop  }
0x1e: {  	[tilespmem:v1+s8+$0x0] =	vst.idx.add.f32.msk $0xffff, v0  }
0x1f: {  	s15 =	sshra.s32 s14, $0x2;
	[tilespmem:v1+s12+$0x0] =	vst.idx.add.f32.msk $0xffff, v2  }
0x20: {  	s14 =	sadd.s32 $0x40, s14;
	v1 =	vld [tilespmem:s15+$0x8000]  }
0x21: {  	_ =	sdelay $0x2  }
0x22: {  	s13 =	sadd.s32 $0x1, s13  }
0x23: {  	v2 =	vld [tilespmem:s15+$0xA000];
	p0 =	sne.s32 s13, $0x8  }
.Ltmp2:
0x24: {  	_ = 	snop;
	(pc) =	sbr.rel @p0 .LBB2_3-.Ltmp2, $3  }
0x25: {  	_ =	sdelay $0x1  }
0x26: {  	[tilespmem:v1+s8+$0x0] =	vst.idx.add.f32.msk $0xffff, v0  }
0x27: {  	[tilespmem:v1+s12+$0x0] =	vst.idx.add.f32.msk $0xffff, v2  }
0x28: {  	s5 =	simm.s32 $0x0  }
0x29: {  	v0 =	vld [tilespmem:s5+$0x4000]  }
0x2a: {  	v1 =	vld [tilespmem:s5+$0x0]  }
0x2b: {  	v2 =	vld [tilespmem:s5+$0x4400]  }
0x2c: {  	v3 =	vld [tilespmem:s5+$0x400]  }
0x2d: {  	v4 =	vld [tilespmem:s5+$0x4800]  }
0x2e: {  	v5 =	vld [tilespmem:s5+$0x800];
	v0 =	vadd.f32 $0.0e+00, v0  }
0x2f: {  	v6 =	vld [tilespmem:s5+$0x4C00];
	v1 =	vadd.f32 $0.0e+00, v1  }
0x30: {  	v0 =	vadd.f32 v2, v0;
	v2 =	vld [tilespmem:s5+$0xC00]  }
0x31: {  	v7 =	vld [tilespmem:s5+$0x5000];
	v1 =	vadd.f32 v3, v1  }
0x32: {  	v3 =	vld [tilespmem:s5+$0x1000];
	v0 =	vadd.f32 v4, v0  }
0x33: {  	v4 =	vld [tilespmem:s5+$0x5400];
	v1 =	vadd.f32 v5, v1  }
0x34: {  	v5 =	vld [tilespmem:s5+$0x1400];
	v0 =	vadd.f32 v6, v0  }
0x35: {  	v6 =	vld [tilespmem:s5+$0x5800];
	v1 =	vadd.f32 v2, v1  }
0x36: {  	v2 =	vld [tilespmem:s5+$0x1800];
	v0 =	vadd.f32 v7, v0  }
0x37: {  	v7 =	vld [tilespmem:s5+$0x5C00];
	v1 =	vadd.f32 v3, v1  }
0x38: {  	v3 =	vld [tilespmem:s5+$0x1C00];
	v0 =	vadd.f32 v4, v0  }
0x39: {  	v4 =	vld [tilespmem:s5+$0x6000];
	v1 =	vadd.f32 v5, v1  }
0x3a: {  	v5 =	vld [tilespmem:s5+$0x2000];
	v0 =	vadd.f32 v6, v0  }
0x3b: {  	v6 =	vld [tilespmem:s5+$0x6400];
	v1 =	vadd.f32 v2, v1  }
0x3c: {  	v2 =	vld [tilespmem:s5+$0x2400];
	v0 =	vadd.f32 v7, v0  }
0x3d: {  	v7 =	vld [tilespmem:s5+$0x6800];
	v1 =	vadd.f32 v3, v1  }
0x3e: {  	v3 =	vld [tilespmem:s5+$0x2800];
	v0 =	vadd.f32 v4, v0  }
0x3f: {  	v4 =	vld [tilespmem:s5+$0x6C00];
	v1 =	vadd.f32 v5, v1  }
0x40: {  	v5 =	vld [tilespmem:s5+$0x2C00];
	v0 =	vadd.f32 v6, v0  }
0x41: {  	v6 =	vld [tilespmem:s5+$0x7000];
	v1 =	vadd.f32 v2, v1  }
0x42: {  	v0 =	vadd.f32 v7, v0;
	v7 =	vld [tilespmem:s5+$0x3000]  }
0x43: {  	v8 =	vld [tilespmem:s5+$0x7400];
	v2 =	vadd.f32 v3, v1  }
0x44: {  	v3 =	vadd.f32 v4, v0;
	v0 =	vld [tilespmem:s5+$0x3400]  }
0x45: {  	v1 =	vld [tilespmem:s5+$0x7800];
	v4 =	vadd.f32 v5, v2  }
0x46: {  	v2 =	vld [tilespmem:s5+$0x3800];
	v6 =	vadd.f32 v6, v3  }
0x47: {  	v3 =	vld [tilespmem:s5+$0x7C00];
	v5 =	vadd.f32 v7, v4  }
0x48: {  	s6 =	simm.s32 $0x10;
	s7 =	simm.s32 $0x80;
	v4 =	vld [tilespmem:s5+$0x3C00];
	v6 =	vadd.f32 v8, v6  }
.LBB2_7:
0x49: {  	p0 =	sne.s32 s7, $0xFC0;
	v7 =	vld [tilespmem:s6+$0x4000];
	v0 =	vadd.f32 v0, v5  }
0x4a: {  	v5 =	vld [tilespmem:s6+$0x0];
	v1 =	vadd.f32 v1, v6  }
0x4b: {  	v6 =	vld [tilespmem:s6+$0x4400];
	v0 =	vadd.f32 v2, v0  }
0x4c: {  	v2 =	vld [tilespmem:s6+$0x400];
	v1 =	vadd.f32 v3, v1  }
0x4d: {  	v3 =	vld [tilespmem:s6+$0x4800];
	v0 =	vadd.f32 v4, v0  }
0x4e: {  	v4 =	vadd.f32 $0.0e+00, v7;
	v7 =	vld [tilespmem:s6+$0x800];
	[tilespmem:s5+$0xC400] =	vst v1  }
0x4f: {  	v1 =	vadd.f32 $0.0e+00, v5;
	v5 =	vld [tilespmem:s6+$0x4C00];
	[tilespmem:s5+$0xC000] =	vst v0;
	s5 =	smov.u32 s6  }
0x50: {  	v0 =	vadd.f32 v6, v4;
	v4 =	vld [tilespmem:s5+$0xC00]  }
0x51: {  	v1 =	vadd.f32 v2, v1;
	v2 =	vld [tilespmem:s5+$0x5000]  }
0x52: {  	v0 =	vadd.f32 v3, v0;
	v3 =	vld [tilespmem:s5+$0x1000]  }
0x53: {  	v1 =	vadd.f32 v7, v1;
	v6 =	vld [tilespmem:s5+$0x5400]  }
0x54: {  	v0 =	vadd.f32 v5, v0;
	v5 =	vld [tilespmem:s5+$0x1400]  }
0x55: {  	v1 =	vadd.f32 v4, v1;
	v4 =	vld [tilespmem:s5+$0x5800]  }
0x56: {  	v0 =	vadd.f32 v2, v0;
	v2 =	vld [tilespmem:s5+$0x1800]  }
0x57: {  	v1 =	vadd.f32 v3, v1;
	v3 =	vld [tilespmem:s5+$0x5C00]  }
0x58: {  	v0 =	vadd.f32 v6, v0;
	v6 =	vld [tilespmem:s5+$0x1C00]  }
0x59: {  	v1 =	vadd.f32 v5, v1;
	v5 =	vld [tilespmem:s5+$0x6000]  }
0x5a: {  	v0 =	vadd.f32 v4, v0;
	v4 =	vld [tilespmem:s5+$0x2000]  }
0x5b: {  	v1 =	vadd.f32 v2, v1;
	v2 =	vld [tilespmem:s5+$0x6400]  }
0x5c: {  	v0 =	vadd.f32 v3, v0;
	v3 =	vld [tilespmem:s5+$0x2400]  }
0x5d: {  	v1 =	vadd.f32 v6, v1;
	v6 =	vld [tilespmem:s5+$0x6800]  }
0x5e: {  	v0 =	vadd.f32 v5, v0;
	v5 =	vld [tilespmem:s5+$0x2800]  }
0x5f: {  	v1 =	vadd.f32 v4, v1;
	v4 =	vld [tilespmem:s5+$0x6C00]  }
0x60: {  	v0 =	vadd.f32 v2, v0;
	v2 =	vld [tilespmem:s5+$0x2C00]  }
0x61: {  	v1 =	vadd.f32 v3, v1;
	v3 =	vld [tilespmem:s5+$0x7000]  }
0x62: {  	v0 =	vadd.f32 v6, v0;
	v6 =	vld [tilespmem:s5+$0x3000]  }
0x63: {  	v1 =	vadd.f32 v5, v1;
	v7 =	vld [tilespmem:s5+$0x7400]  }
.Ltmp3:
0x64: {  	v4 =	vadd.f32 v4, v0;
	v0 =	vld [tilespmem:s5+$0x3400];
	(pc) =	sbr.rel @p0 .LBB2_7-.Ltmp3, $4  }
0x65: {  	v5 =	vadd.f32 v2, v1;
	v1 =	vld [tilespmem:s5+$0x7800]  }
0x66: {  	v4 =	vadd.f32 v3, v4;
	v2 =	vld [tilespmem:s5+$0x3800]  }
0x67: {  	v5 =	vadd.f32 v6, v5;
	v3 =	vld [tilespmem:s5+$0x7C00]  }
0x68: {  	s6 =	sshra.s32 s7, $0x2;
	s7 =	sadd.s32 $0x40, s7;
	v6 =	vadd.f32 v7, v4;
	v4 =	vld [tilespmem:s5+$0x3C00]  }
0x69: {  	v7 =	vld [tilespmem:s6+$0x4000];
	v0 =	vadd.f32 v0, v5  }
0x6a: {  	v8 =	vld [tilespmem:s6+$0x0];
	v1 =	vadd.f32 v1, v6  }
0x6b: {  	v30 =	vld [tilespmem:s6+$0x4400];
	v0 =	vadd.f32 v2, v0  }
0x6c: {  	v31 =	vld [tilespmem:s6+$0x400];
	v1 =	vadd.f32 v3, v1  }
0x6d: {  	v32 =	vld [tilespmem:s6+$0x4800];
	v0 =	vadd.f32 v4, v0  }
0x6e: {  	v33 =	vld [tilespmem:s6+$0x800];
	[tilespmem:s5+$0xC400] =	vst v1;
	v34 =	vadd.f32 $0.0e+00, v7  }
0x6f: {  	v36 =	vadd.f32 $0.0e+00, v8;
	v35 =	vld [tilespmem:s6+$0x4C00];
	[tilespmem:s5+$0xC000] =	vst v0  }
0x70: {  	v37 =	vadd.f32 v30, v34;
	v38 =	vld [tilespmem:s6+$0xC00]  }
0x71: {  	v39 =	vadd.f32 v31, v36;
	v40 =	vld [tilespmem:s6+$0x5000]  }
0x72: {  	v41 =	vld [tilespmem:s6+$0x1000];
	v0 =	vadd.f32 v32, v37  }
0x73: {  	v42 =	vld [tilespmem:s6+$0x5400];
	v3 =	vadd.f32 v33, v39  }
0x74: {  	v43 =	vld [tilespmem:s6+$0x1400];
	v0 =	vadd.f32 v35, v0  }
0x75: {  	v44 =	vld [tilespmem:s6+$0x5800];
	v1 =	vadd.f32 v38, v3  }
0x76: {  	v45 =	vld [tilespmem:s6+$0x1800];
	v0 =	vadd.f32 v40, v0  }
0x77: {  	v46 =	vld [tilespmem:s6+$0x5C00];
	v1 =	vadd.f32 v41, v1  }
0x78: {  	v47 =	vld [tilespmem:s6+$0x1C00];
	v0 =	vadd.f32 v42, v0  }
0x79: {  	v48 =	vld [tilespmem:s6+$0x6000];
	v1 =	vadd.f32 v43, v1  }
0x7a: {  	v49 =	vld [tilespmem:s6+$0x2000];
	v0 =	vadd.f32 v44, v0  }
0x7b: {  	v50 =	vld [tilespmem:s6+$0x6400];
	v1 =	vadd.f32 v45, v1  }
0x7c: {  	v51 =	vld [tilespmem:s6+$0x2400];
	v0 =	vadd.f32 v46, v0  }
0x7d: {  	v52 =	vld [tilespmem:s6+$0x6800];
	v1 =	vadd.f32 v47, v1  }
0x7e: {  	v53 =	vld [tilespmem:s6+$0x2800];
	v0 =	vadd.f32 v48, v0  }
0x7f: {  	v54 =	vld [tilespmem:s6+$0x6C00];
	v1 =	vadd.f32 v49, v1  }
0x80: {  	v55 =	vld [tilespmem:s6+$0x2C00];
	v0 =	vadd.f32 v50, v0  }
0x81: {  	v56 =	vld [tilespmem:s6+$0x7000];
	v1 =	vadd.f32 v51, v1  }
0x82: {  	v57 =	vld [tilespmem:s6+$0x3000];
	v0 =	vadd.f32 v52, v0  }
0x83: {  	v58 =	vld [tilespmem:s6+$0x7400];
	v1 =	vadd.f32 v53, v1  }
0x84: {  	v59 =	vld [tilespmem:s6+$0x3400];
	v0 =	vadd.f32 v54, v0  }
0x85: {  	v60 =	vld [tilespmem:s6+$0x7800];
	v1 =	vadd.f32 v55, v1  }
0x86: {  	v61 =	vld [tilespmem:s6+$0x3800];
	v0 =	vadd.f32 v56, v0  }
0x87: {  	v62 =	vld [tilespmem:s6+$0x7C00];
	v1 =	vadd.f32 v57, v1  }
0x88: {  	v63 =	vld [tilespmem:s6+$0x3C00];
	v0 =	vadd.f32 v58, v0  }
0x89: {  	v1 =	vadd.f32 v59, v1  }
0x8a: {  	v0 =	vadd.f32 v60, v0  }
0x8b: {  	v1 =	vadd.f32 v61, v1  }
0x8c: {  	v0 =	vadd.f32 v62, v0  }
0x8d: {  	v1 =	vadd.f32 v63, v1  }
0x8e: {  	s29 =	sshll.u32 s4, $0x8;
	s7 =	simm.s32 $0xC000;
	[tilespmem:s6+$0xC400] =	vst v0  }
0x8f: {  	s31 =	simm.s32 $0x1;
	s30 =	sadd.s32 s3, s29;
	s5 =	simm.s32 $0x0;
	[tilespmem:s6+$0xC000] =	vst v1  }
0x90: {  	[hbm4b:s30+s5] =	stream.linear.scatter [tilespmem:s7], [sflag:$0x1], $0x800, $0x38;
	[tilespmem:$0xD000] =	vst v63  }
0x91: {  	_ =	swait.ge [sflag:s31], $0x800  }
0x92: {  	[sflag:s31] =	ssyncset.done $0x0  }
0x93: {  	[sflag:s31] =	ssyncadd.s32 $0xFFFFF800  }
0x94: {  	p0 =	sne.s32 s4, $0x0;
	[bflag:$0x0] =	sbarrier.arrive $0xFFFF  }
0x95: {  	_ =	sfence.sel @p0 $0x180000  }
0x96: {  	[bflag:$0x0] =	sbarrier.arrive @p0 $0xFFFF  }
0x97: {  	_ =	strace @p0 $0x90000047  }
0x98: {  	[bflag:$0x2] =	sbarrier.arrive @p0 $0xFFFF  }
0x99: {  	_ =	shalt @p0  }
.LBB2_9:
0x9a: {  	v0 =	vimm.f32 $0.0e+00  }
.LBB2_10:
0x9b: {  	p0 =	sne.s32 s5, $0x1FC0  }
.Ltmp4:
0x9c: {  	_ = 	snop;
	(pc) =	sbr.rel @p0 .LBB2_10-.Ltmp4, $3  }
0x9d: {  	_ =	sdelay $0x1  }
0x9e: {  	s4 =	sshra.s32 s5, $0x2  }
0x9f: {  	s5 =	sadd.s32 $0x40, s5;
	[tilespmem:s4+$0xC000] =	vst v0  }
0xa0: {  	s4 =	simm.s32 $0x0  }
0xa1: {  	s5 =	simm.s32 $0xC800;
	s6 =	simm.s32 $0x1;
	s7 =	simm.s32 $0x0  }
.LBB2_12:
0xa2: {  	s8 =	sshll.u32 s7, $0x8  }
0xa3: {  	s8 =	sadd.s32 s3, s8  }
0xa4: {  	[tilespmem:s5], [sflag:$0x1] =	stream.linear.gather [hbm4b:s8+s4], $0x800, $0x38;
	[tilespmem:$0xD000] =	vst v63  }
0xa5: {  	_ =	swait.ge [sflag:s6], $0x800  }
0xa6: {  	[sflag:s6] =	ssyncset.done $0x0  }
0xa7: {  	s8 =	simm.s32 $0x0;
	[sflag:s6] =	ssyncadd.s32 $0xFFFFF800  }
0xa8: {  	s9 =	simm.s32 $0x40;
	v0 =	vld [tilespmem:s8+$0xC800]  }
.LBB2_13:
0xa9: {  	p0 =	sne.s32 s9, $0x1FC0;
	v1 =	vld [tilespmem:s8+$0xC000];
	_ =	sdelay $0x2  }
.Ltmp5:
0xaa: {  	(pc) =	sbr.rel @p0 .LBB2_13-.Ltmp5, $4  }
0xab: {  	_ = 	snop  }
0xac: {  	v1 =	vadd.f32 v0, v1  }
0xad: {  	s10 =	sshra.s32 s9, $0x2  }
0xae: {  	s9 =	sadd.s32 $0x40, s9;
	v0 =	vld [tilespmem:s10+$0xC800];
	[tilespmem:s8+$0xC000] =	vst v1;
	s8 =	smov.u32 s10  }
0xaf: {  	v1 =	vld [tilespmem:s8+$0xC000]  }
0xb0: {  	s7 =	sadd.s32 $0x1, s7  }
0xb1: {  	p0 =	sne.s32 s7, $0x10  }
.Ltmp6:
0xb2: {  	_ = 	snop;
	(pc) =	sbr.rel @p0 .LBB2_12-.Ltmp6, $3  }
0xb3: {  	_ = 	snop  }
0xb4: {  	v0 =	vadd.f32 v0, v1;
	_ =	sdelay $0x1  }
0xb5: {  	[tilespmem:s8+$0xC000] =	vst v0  }
0xb6: {  	s3 =	simm.s32 $0x0;
	s4 =	simm.s32 $0xC800;
	s24 =	simm.s32 $0x1  }
0xb7: {  	[tilespmem:s4], [sflag:$0x1] =	stream.linear.gather [hbm4b:s2+s3], $0x400, $0x38;
	[tilespmem:$0xD000] =	vst v63  }
0xb8: {  	_ =	swait.ge [sflag:s24], $0x400  }
0xb9: {  	[sflag:s24] =	ssyncset.done $0x0  }
0xba: {  	s25 =	simm.s32 $0xC000;
	[sflag:s24] =	ssyncadd.s32 $0xFFFFFC00  }
0xbb: {  	v9 =	vld [tilespmem:s25+$0x0];
	_ =	sdelay $0x1  }
0xbc: {  	s26 =	sand.u32 $0x3F0, s3  }
0xbd: {  	v8 =	vld [tilespmem:s26+$0xC400];
	_ =	sdelay $0x1  }
0xbe: {  	(xrf2) =	vadd.scan.msk.f32 $0xffff, v9  }
0xbf: {  	s29 =	simm.s32 $0xC010  }
0xc0: {  	v7 =	vld [tilespmem:s29+$0x0]  }
0xc1: {  	(xrf2) =	vadd.scan.msk.f32 $0xffff, v8  }
0xc2: {  	s28 =	simm.s32 $0x10  }
0xc3: {  	s2 =	sand.u32 $0x3F0, s28  }
0xc4: {  	v5 =	vld [tilespmem:s2+$0xC400]  }
0xc5: {  	s30 =	simm.s32 $0xC020;
	(xrf2) =	vadd.scan.msk.f32 $0xffff, v7  }
0xc6: {  	v6 =	vld [tilespmem:s30+$0x0];
	_ =	sdelay $0x1  }
0xc7: {  	v10 =	vimm.f32 $0.0e+00;
	v1, _, _ =	vpop (xrf2)  }
0xc8: {  	s31 =	simm.s32 $0x20;
	v2 =	vld [tilespmem:$0xC800];
	(xrf2) =	vadd.scan.msk.f32 $0xffff, v5;
	v0 =	vadd.f32 v1, v10  }
0xc9: {  	s2 =	sand.u32 $0x3F0, s31  }
0xca: {  	v4 =	vld [tilespmem:s2+$0xC400];
	v18, _, _ =	vpop (xrf2);
	(xrf2) =	vadd.scan.msk.f32 $0xffff, v6;
	v16 =	vsub.f32 $1.048576000e+06, v0  }
0xcb: {  	v13 =	vimm.f32 $0.0e+00;
	v14 =	vimm.f32 $0.0e+00;
	v3 =	vbroadcast v1, $0xF;
	v1 =	vld [tilespmem:$0xC900]  }
0xcc: {  	v15 =	vimm.f32 $0.0e+00;
	v12 =	vimm.f32 $0.0e+00;
	s3 =	simm.s32 $0xC030;
	v0 =	vld [tilespmem:$0xC880];
	v19 =	vadd.f32 v16, v9  }
0xcd: {  	s4 =	simm.s32 $0x40;
	s2 =	simm.s32 $0x30;
	v20 =	vbroadcast v18, $0xF;
	v11 =	vadd.f32 v3, v10;
	v3 =	vld [tilespmem:s3+$0x0];
	v17 =	vsub.f32 v2, v16  }
.LBB2_16:
0xce: {  	p0 =	sne.s32 s4, $0x3F0;
	v21, _, _ =	vpop (xrf2);
	v18 =	vadd.f32 v18, v10;
	vm0 =	vlt.f32 v16, v2;
	vm1 =	vge.f32 v19, v2  }
0xcf: {  	(xrf2) =	vadd.scan.msk.f32 $0xffff, v4;
	v16 =	vadd.f32 v21, v11;
	vm0 =	vmand vm0, vm1;
	v10 =	vadd.f32 v20, v10  }
.Ltmp7:
0xd0: {  	s5 =	sand.u32 $0x3F0, s2;
	s2 =	smov.u32 s4;
	v17 =	vnsel vm0, $0x0, v17;
	v19 =	vnsel vm0, $0x0, v18;
	v23 =	vnsel vm0, $0x0, v9;
	v9 =	vmovc v7;
	v7 =	vmovc v6;
	(pc) =	sbr.rel @p0 .LBB2_16-.Ltmp7, $4  }
0xd1: {  	v22 =	vnsel vm0, $0x0, v8;
	v8 =	vmovc v5;
	v5 =	vmovc v4;
	v16 =	vsub.f32 $1.048576000e+06, v16;
	v13 =	vadd.f32 v23, v13;
	v4 =	vld [tilespmem:s5+$0xC400]  }
0xd2: {  	v20 =	vbroadcast v21, $0xF;
	v14 =	vadd.f32 v17, v14;
	v15 =	vadd.f32 v19, v15;
	(xrf2) =	vadd.scan.msk.f32 $0xffff, v3;
	v18, _, _ =	vpop (xrf2)  }
0xd3: {  	s3 =	sadd.s32 $0x10, s3;
	v6 =	vmov v3;
	v19 =	vadd.f32 v16, v9;
	v17 =	vsub.f32 v2, v16  }
0xd4: {  	s4 =	sadd.s32 $0x10, s4;
	v11 =	vadd.f32 v20, v11;
	v12 =	vadd.f32 v22, v12;
	v20 =	vbroadcast v18, $0xF;
	v3 =	vld [tilespmem:s3+$0x0]  }
0xd5: {  	_ =	sdelay $0x2  }
0xd6: {  	v21, _, _ =	vpop (xrf2);
	v18 =	vadd.f32 v18, v10;
	(xrf2) =	vadd.scan.msk.f32 $0xffff, v4  }
0xd7: {  	vm0 =	vlt.f32 v16, v2;
	vm1 =	vge.f32 v19, v2;
	v62 =	vadd.f32 v21, v11;
	(xrf2) =	vadd.scan.msk.f32 $0xffff, v3  }
0xd8: {  	s2 =	sand.u32 $0x3F0, s2;
	vm0 =	vmand vm0, vm1;
	v63 =	vadd.f32 v20, v10;
	v25 =	vbroadcast v21, $0xF  }
0xd9: {  	v24 =	vld [tilespmem:s2+$0xC400];
	v17 =	vnsel vm0, $0x0, v17;
	v9 =	vnsel vm0, $0x0, v9;
	v16 =	vsub.f32 $1.048576000e+06, v62  }
0xda: {  	v18 =	vnsel vm0, $0x0, v18;
	v9 =	vadd.f32 v9, v13;
	v14 =	vadd.f32 v17, v14  }
0xdb: {  	v8 =	vnsel vm0, $0x0, v8;
	v15 =	vadd.f32 v18, v15;
	v26, _, _ =	vpop (xrf2);
	v28 =	vadd.f32 v16, v7  }
0xdc: {  	v29 =	vadd.f32 v25, v11;
	v8 =	vadd.f32 v8, v12;
	v32 =	vbroadcast v26, $0xF  }
0xdd: {  	vm9 =	vlt.f32 v16, v2;
	v34 =	vadd.f32 v26, v63;
	v27, _, _ =	vpop (xrf2);
	vm10 =	vge.f32 v28, v2  }
0xde: {  	(xrf2) =	vadd.scan.msk.f32 $0xffff, v24;
	v30 =	vbroadcast v27, $0xF;
	v11 =	vadd.f32 v27, v29;
	vm0 =	vmand vm9, vm10  }
0xdf: {  	v31 =	vsub.f32 v2, v16;
	v10 =	vadd.f32 v32, v63;
	v36 =	vnsel vm0, $0x0, v7  }
0xe0: {  	v39 =	vnsel vm0, $0x0, v34;
	v13 =	vadd.f32 v30, v29;
	v11 =	vsub.f32 $1.048576000e+06, v11;
	v33, _, _ =	vpop (xrf2)  }
0xe1: {  	v5 =	vnsel vm0, $0x0, v5;
	v7 =	vadd.f32 v36, v9;
	v9 =	vadd.f32 v39, v15;
	v35, _, _ =	vpop (xrf2)  }
0xe2: {  	v5 =	vadd.f32 v5, v8;
	v37 =	vadd.f32 v35, v13  }
0xe3: {  	v40 =	vadd.f32 v11, v6;
	v41 =	vsub.f32 v2, v11;
	v42 =	vbroadcast v33, $0xF  }
0xe4: {  	v38 =	vnsel vm0, $0x0, v31;
	v16 =	vadd.f32 v33, v10;
	v12 =	vsub.f32 $1.048576000e+06, v37  }
0xe5: {  	vm11 =	vlt.f32 v11, v2;
	vm12 =	vge.f32 v40, v2;
	v44 =	vadd.f32 v42, v10  }
0xe6: {  	v13 =	vadd.f32 v38, v14;
	vm0 =	vmand vm11, vm12;
	v43 =	vadd.f32 v12, v3  }
0xe7: {  	v45 =	vnsel vm0, $0x0, v41;
	v46 =	vnsel vm0, $0x0, v16;
	v49 =	vnsel vm0, $0x0, v6  }
0xe8: {  	v47, _, _ =	vpop (xrf2);
	vm13 =	vlt.f32 v12, v2;
	v48 =	vsub.f32 v2, v12;
	vm2 =	vge.f32 v43, v2  }
0xe9: {  	v10 =	vadd.f32 v45, v13;
	v50 =	vadd.f32 v47, v44;
	vm1 =	vmand vm13, vm2  }
0xea: {  	v51 =	vnsel vm0, $0x0, v4;
	v9 =	vadd.f32 v46, v9;
	v2 =	vnsel vm1, $0x0, v48  }
0xeb: {  	v4 =	vadd.f32 v51, v5;
	v52 =	vnsel vm1, $0x0, v50;
	v2 =	vadd.f32 v2, v10  }
0xec: {  	v6 =	vadd.f32 v49, v7;
	v53 =	vnsel vm1, $0x0, v24;
	v5 =	vadd.f32 v52, v9  }
0xed: {  	v54 =	vnsel vm1, $0x0, v3;
	v4 =	vadd.f32 v53, v4;
	(xrf2) =	vadd.scan.msk.f32 $0xffff, v2  }
0xee: {  	v55 =	vadd.f32 v54, v6;
	(xrf2) =	vadd.scan.msk.f32 $0xffff, v5  }
0xef: {  	(xrf2) =	vadd.scan.msk.f32 $0xffff, v4  }
0xf0: {  	(xrf2) =	vadd.scan.msk.f32 $0xffff, v55;
	_ =	sdelay $0x6  }
0xf1: {  	v56, _, _ =	vpop (xrf2)  }
0xf2: {  	v57, _, _ =	vpop (xrf2)  }
0xf3: {  	v4, _, _ =	vpop (xrf2)  }
0xf4: {  	v58, _, _ =	vpop (xrf2)  }
0xf5: {  	v5 =	vmax.f32 v58, $1.000000000e+00  }
0xf6: {  	v5 =	vbroadcast v5, $0xF;
	_ =	sdelay $0x1  }
0xf7: {  	(erf) = vrcp.f32 v5;
	_ =	sdelay $0x5  }
0xf8: {  	v59 =	vbroadcast v47, $0xF;
	v4 =	vmul.f32 v4, v56  }
0xf9: {  	v60 =	vimm.s32 $0x0;
	vm14 =	vgt.f32 v56, $0.0e+00;
	(erf) = vrcp.f32 v1  }
0xfa: {  	v3 =	vbroadcast v57, $0xF;
	v61 =	vbroadcast v4, $0xF;
	v5 =	vadd.f32 v59, v44  }
0xfb: {  	v1 =	vsel vm14, $0x1, v60;
	v62 =	vpop (erf)  }
0xfc: {  	v1 =	vbroadcast v1, $0xF;
	v3 =	vsub.f32 v5, v3;
	v2 =	vmul.f32 v62, v61;
	_ =	sdelay $0x1  }
0xfd: {  	v1 =	vand.u32 $0x1, v1;
	v2 =	vadd.f32 v2, v3  }
0xfe: {  	vm15 =	veq.s32 v1, $0x1  }
0xff: {  	v1 =	vnsel vm15, $0x0, v2  }
0x100: {  	v0 =	vadd.f32 v1, v0  }
0x101: {  	v63 =	vpop (erf)  }
0x102: {  	v0 =	vmul.f32 v0, v63;
	_ =	sdelay $0x1  }
0x103: {  	s30 =	simm.s32 $0x0;
	s3 =	simm.s32 $0xC800;
	s31 =	simm.s32 $0x1;
	[tilespmem:$0xC800] =	vst v0  }
0x104: {  	[hbm4b:s1+s30] =	stream.linear.scatter [tilespmem:s3], [sflag:$0x1], $0x10, $0x38;
	[tilespmem:$0xD000] =	vst v63  }
0x105: {  	_ =	swait.ge [sflag:s31], $0x10  }
0x106: {  	[sflag:s31] =	ssyncset.done $0x0  }
0x107: {  	[sflag:s31] =	ssyncadd.s32 $0xFFFFFFF0  }
0x108: {  	_ =	sfence.sel $0x180000  }
0x109: {  	[bflag:$0x0] =	sbarrier.arrive $0xFFFF  }
0x10a: {  	_ =	strace $0x90000047  }
0x10b: {  	s0 =	sadd.s32 $0x100000, s0;
	[bflag:$0x2] =	sbarrier.arrive $0xFFFF  }
0x10c: {  	[sflag:s0] =	ssyncadd.tile.s32 $0x1;
	_ =	shalt  }
.Lfunc_end2:
_tile_overlayer_lowered:
.L_overlay_start_2:
0x10d: {  	(tag) =	ssettag $0x2  }
0x10e: {  	s0 =	rddreg [dreg:$0x0];
	s2 =	stileid.u32  }
0x10f: {  	s1 =	rddreg [dreg:$0x1];
	p0 =	sne.s32 s2, $0x0  }
0x110: {  	s3 =	rddreg [dreg:$0x2];
	[bflag:$0x3] =	sbarrier.arrive $0xFFFF;
	s2 =	simm.s32 @!p0 $0x1C01  }
0x111: {  	[timem:s3], [sflag:s2] =	dma.local @!p0 [hbm:s0], s1  }
0x112: {  	s0 =	simm.s32 @!p0 $0x1  }
0x113: {  	_ =	swait.ge @!p0 [sflag:s0], s1  }
0x114: {  	s1 =	ssub.s32 @!p0 $0x0, s1;
	[sflag:s0] =	ssyncset.done @!p0 $0x0  }
0x115: {  	[sflag:s0] =	ssyncadd.s32 @!p0 s1  }
0x116: {  	[bflag:$0x3] =	sbarrier.arrive $0xFFFF  }
0x117: {  	_ =	shalt  }

</sc_bundles>
